<compile_context>
chip_gen: v7x
topology: tpu7x:2x2x1
jax: 0.10.2.dev20260603
libtpu: 0.0.44.dev20260713+nightly
codegen_flags: <defaults>
</compile_context>

<pallas_src>
import functools

import numpy as np
import jax
import jax.numpy as jnp
from jax import lax
from jax.experimental import pallas as pl
from jax.experimental.pallas import tpu as pltpu
from jax.experimental.pallas import tpu_sc as plsc

L = 16
W_RES = 1024
H_RES = 1024
HW = W_RES * H_RES
LOG2_T = 19
T_SIZE = 2 ** LOG2_T
F_DIM = 2
HIDDEN = 64
HASH_K = np.uint32(2654435761)
HASH_MASK = np.uint32(T_SIZE - 1)

NC, NS = 2, 16
NW = NC * NS
CHUNK = 2048
IDX_ROWS = CHUNK // 128


def _resolutions_np():
    b = np.exp((np.log(2048.0) - np.log(16.0)) / (L - 1))
    return np.floor(16.0 * (b ** np.arange(L))).astype(np.float32)


@functools.lru_cache(maxsize=1)
def _precompute():
    res = _resolutions_np()
    px = (np.arange(W_RES, dtype=np.float32) / np.float32(W_RES))
    idx_segs, amats, ns, npads, offs = [], [], [], [], []
    off = 0
    for l in range(L - 1):
        r = np.float32(res[l])
        scaled = (px * r).astype(np.float32)
        pos = np.floor(scaled).astype(np.float32)
        ix = pos.astype(np.uint32)
        fx = (scaled - pos).astype(np.float32)
        n = int(ix.max()) + 2
        g = np.arange(n, dtype=np.uint32)
        hy = (g * HASH_K) & HASH_MASK
        grid = (g[None, :] ^ hy[:, None]) & HASH_MASK
        npad = ((n + 127) // 128) * 128
        gridp = np.empty((n, npad), np.uint32)
        for row in range(n):
            gridp[row] = np.resize(grid[row], npad)
        seg = (gridp.astype(np.int64) + l * T_SIZE).astype(np.int32).reshape(-1)
        seg_len = ((seg.size + CHUNK - 1) // CHUNK) * CHUNK
        seg = np.resize(seg, seg_len)
        idx_segs.append(seg)
        a = np.zeros((W_RES, n), np.float32)
        a[np.arange(W_RES), ix] += (1.0 - fx)
        a[np.arange(W_RES), ix + 1] += fx
        amats.append(a)
        ns.append(n)
        npads.append(npad)
        offs.append(off)
        off += seg_len
    ix15 = (px * np.float32(res[L - 1])).astype(np.uint32)
    h15 = (ix15[None, :] ^ ((ix15[:, None] * HASH_K) & HASH_MASK)) & HASH_MASK
    idx_segs.append((h15.astype(np.int64) + (L - 1) * T_SIZE)
                    .astype(np.int32).reshape(-1))
    off15 = off
    off += HW
    nv = off
    group = NW * CHUNK
    nv_pad = ((nv + group - 1) // group) * group
    idx = np.concatenate(idx_segs)
    pad = (np.arange(nv_pad - nv, dtype=np.int64) % (L * T_SIZE)).astype(np.int32)
    idx = np.concatenate([idx, pad]).astype(np.int64)
    lvl = idx >> LOG2_T
    t_in = idx & int(HASH_MASK)
    base = lvl * (2 * T_SIZE) + (t_in >> 7) * 256 + (t_in & 127)
    idx0 = base.astype(np.int32)
    idx1 = (base + 128).astype(np.int32)
    return dict(idx0=idx0, idx1=idx1, amats=amats, ns=ns, npads=npads,
                offs=offs, off15=off15, nv_pad=nv_pad)


def _sc_gather(tbl_flat, idx0_np, idx1_np, nv_pad):
    per_w = nv_pad // NW
    n_outer = per_w // CHUNK
    mesh = plsc.VectorSubcoreMesh(core_axis_name="c", subcore_axis_name="s",
                                  num_cores=NC, num_subcores=NS)

    @functools.partial(
        pl.kernel,
        out_type=jax.ShapeDtypeStruct((F_DIM, nv_pad), jnp.float32),
        mesh=mesh,
        scratch_types=[
            pltpu.VMEM((CHUNK,), jnp.int32),
            pltpu.VMEM((CHUNK,), jnp.int32),
            pltpu.VMEM((CHUNK,), jnp.float32),
            pltpu.VMEM((CHUNK,), jnp.float32),
            pltpu.SemaphoreType.DMA,
        ],
        compiler_params=pltpu.CompilerParams(use_tc_tiling_on_sc=False,
                                             needs_layout_passes=False),
    )
    def gather_k(tbl_hbm, idx0_hbm, idx1_hbm, out_hbm, idx0_v, idx1_v,
                 c0_v, c1_v, sem):
        wid = lax.axis_index("s") * NC + lax.axis_index("c")
        base_out = wid * per_w

        def body(j, carry):
            base = base_out + j * CHUNK
            pltpu.sync_copy(idx0_hbm.at[pl.ds(base, CHUNK)], idx0_v)
            pltpu.sync_copy(idx1_hbm.at[pl.ds(base, CHUNK)], idx1_v)
            copies = [
                pltpu.async_copy(tbl_hbm.at[iv.at[pl.ds(t * 128, 128)]],
                                 cv.at[pl.ds(t * 128, 128)], sem)
                for iv, cv in ((idx0_v, c0_v), (idx1_v, c1_v))
                for t in range(IDX_ROWS)
            ]
            for c in copies:
                c.wait()
            pltpu.sync_copy(c0_v, out_hbm.at[0, pl.ds(base, CHUNK)])
            pltpu.sync_copy(c1_v, out_hbm.at[1, pl.ds(base, CHUNK)])
            return carry

        lax.fori_loop(0, n_outer, body, 0)

    return gather_k(tbl_flat, jnp.asarray(idx0_np), jnp.asarray(idx1_np))


def _level_interp(a_np, npad, g2):
    n = a_np.shape[1]
    a = jnp.asarray(a_np).astype(jnp.bfloat16)
    atp_np = np.zeros((npad, W_RES), np.float32)
    atp_np[:n] = a_np.T
    at = jnp.asarray(atp_np).astype(jnp.bfloat16)

    def body(a_ref, at_ref, g_ref, o_ref):
        av = a_ref[...]
        atv = at_ref[...]
        for c in (0, 1):
            t = jnp.dot(g_ref[c], atv, preferred_element_type=jnp.float32)
            e = jnp.dot(av, t.astype(jnp.bfloat16),
                        preferred_element_type=jnp.float32)
            o_ref[c] = e.astype(jnp.bfloat16)

    return pl.pallas_call(
        body,
        out_shape=jax.ShapeDtypeStruct((2, H_RES, W_RES), jnp.bfloat16),
    )(a, at, g2)


def _mlp(planes, w1t, b1, w2t, b2, w3t, b3):
    bn = 16384
    grid = (HW // bn,)

    def body(*refs):
        plane_refs = refs[:L]
        w1_ref, b1_ref, w2_ref, b2_ref, w3_ref, b3_ref, o_ref = refs[L:]
        x = jnp.concatenate([p[...] for p in plane_refs], axis=0)
        h = jnp.dot(w1_ref[...], x, preferred_element_type=jnp.float32)
        h = jnp.maximum(h + b1_ref[...], 0.0).astype(jnp.bfloat16)
        h = jnp.dot(w2_ref[...], h, preferred_element_type=jnp.float32)
        h = jnp.maximum(h + b2_ref[...], 0.0).astype(jnp.bfloat16)
        o = jnp.dot(w3_ref[...], h, preferred_element_type=jnp.float32)
        o_ref[...] = jax.nn.sigmoid(o + b3_ref[...])

    full = lambda s: pl.BlockSpec(s, lambda i: (0, 0))
    return pl.pallas_call(
        body,
        grid=grid,
        in_specs=[pl.BlockSpec((2, bn), lambda i: (0, i)) for _ in range(L)]
        + [
            full((HIDDEN, 32)), full((HIDDEN, 1)),
            full((HIDDEN, HIDDEN)), full((HIDDEN, 1)),
            full((3, HIDDEN)), full((3, 1)),
        ],
        out_specs=pl.BlockSpec((3, bn), lambda i: (0, i)),
        out_shape=jax.ShapeDtypeStruct((3, HW), jnp.float32),
    )(*planes, w1t, b1, w2t, b2, w3t, b3)


def kernel(tables, W1, b1, W2, b2, W3, b3):
    pre = _precompute()
    tbl = (tables.reshape(L, T_SIZE // 128, 128, F_DIM)
           .transpose(0, 1, 3, 2).reshape(L * F_DIM * T_SIZE))
    g = _sc_gather(tbl, pre["idx0"], pre["idx1"], pre["nv_pad"])

    gb = g.astype(jnp.bfloat16)
    planes = []
    for l in range(L - 1):
        n, npad, off = pre["ns"][l], pre["npads"][l], pre["offs"][l]
        seg = lax.slice(gb, (0, off), (F_DIM, off + n * npad))
        g2 = seg.reshape(F_DIM, n, npad)
        planes.append(_level_interp(pre["amats"][l], npad, g2)
                      .reshape(F_DIM, HW))
    seg15 = lax.slice(gb, (0, pre["off15"]), (F_DIM, pre["off15"] + HW))
    planes.append(seg15)
    out = _mlp(planes,
               W1.T.astype(jnp.bfloat16), b1.reshape(HIDDEN, 1),
               W2.T.astype(jnp.bfloat16), b2.reshape(HIDDEN, 1),
               W3.T.astype(jnp.bfloat16), b3.reshape(3, 1))
    return out.reshape(1, 3, H_RES, W_RES)

# --- scband reference (transcript-rebuilt; emitter-appended) ---
"""Pipeline reference for scband-uvinstant-ngp-31928786879034 (READ-ONLY COPY).

The authoritative reference and input builder live on the scoring server;
editing this copy changes nothing except your own understanding.
"""

import jax, jax.numpy as jnp
import numpy as np

W_RES = 1024
H_RES = 1024
L = 16
F_DIM = 2
LOG2_T = 19
T = 2 ** LOG2_T
N_MIN = 16
N_MAX = 2048
HIDDEN = 64


def _resolutions():
    b = np.exp((np.log(N_MAX) - np.log(N_MIN)) / (L - 1))
    return np.floor(N_MIN * (b ** np.arange(L))).astype(np.float32)


def _coords():
    x, y = jnp.meshgrid(jnp.arange(W_RES), jnp.arange(H_RES), indexing='xy')
    x = x.reshape(-1).astype(jnp.float32) / W_RES
    y = y.reshape(-1).astype(jnp.float32) / H_RES
    return jnp.stack([x, y], axis=1)


def _hash2(ix, iy):
    return ((ix * jnp.uint32(1)) ^ (iy * jnp.uint32(2654435761))) & jnp.uint32(T - 1)


def _encode(coords, tables):
    res_list = _resolutions()
    feats = []
    for l in range(L):
        res = float(res_list[l])
        scaled = coords * res
        pos = jnp.floor(scaled)
        frac = scaled - pos
        p = pos.astype(jnp.uint32)
        ix = p[:, 0]
        iy = p[:, 1]
        t = tables[l]
        c00 = t[_hash2(ix, iy)]
        c10 = t[_hash2(ix + jnp.uint32(1), iy)]
        c01 = t[_hash2(ix, iy + jnp.uint32(1))]
        c11 = t[_hash2(ix + jnp.uint32(1), iy + jnp.uint32(1))]
        fx = frac[:, 0:1]
        fy = frac[:, 1:2]
        f = (c00 * (1 - fx) * (1 - fy) + c10 * fx * (1 - fy)
             + c01 * (1 - fx) * fy + c11 * fx * fy)
        feats.append(f)
    return jnp.concatenate(feats, axis=-1)


def setup_inputs(seed: int = 0) -> dict:
    key = jax.random.key(seed)
    ks = jax.random.split(key, 8)
    tables = jax.random.uniform(ks[0], (L, T, F_DIM), minval=-1e-4, maxval=1e-4, dtype=jnp.float32)
    in_dim = L * F_DIM
    W1 = jax.random.normal(ks[1], (in_dim, HIDDEN), dtype=jnp.float32) * (1.0 / np.sqrt(in_dim))
    b1 = jnp.zeros((HIDDEN,), jnp.float32)
    W2 = jax.random.normal(ks[2], (HIDDEN, HIDDEN), dtype=jnp.float32) * (1.0 / np.sqrt(HIDDEN))
    b2 = jnp.zeros((HIDDEN,), jnp.float32)
    W3 = jax.random.normal(ks[3], (HIDDEN, 3), dtype=jnp.float32) * (1.0 / np.sqrt(HIDDEN))
    b3 = jnp.zeros((3,), jnp.float32)
    return {"tables": tables, "W1": W1, "b1": b1, "W2": W2, "b2": b2, "W3": W3, "b3": b3}


def reference(tables, W1, b1, W2, b2, W3, b3):
    coords = _coords()
    enc = _encode(coords, tables)
    h = jax.nn.relu(enc @ W1 + b1)
    h = jax.nn.relu(h @ W2 + b2)
    out = h @ W3 + b3
    out = out.reshape(H_RES, W_RES, 3).transpose(2, 0, 1)
    out = jax.nn.sigmoid(out)
    return out[None, ...]

if __name__ == "__main__":
    import jax
    _d = setup_inputs()
    print(jax.jit(kernel)(*tuple(_d.values())))

</pallas_src>

<mosaic_0001>
#map = affine_map<(d0, d1) -> (0)>
#map1 = affine_map<(d0, d1) -> (0, 0)>
module attributes {stable_mosaic.version = 14 : i64} {
  func.func @gather_k(%arg0: i32, %arg1: i32, %arg2: memref<16777216xf32, #tpu.memory_space<hbm>>, %arg3: memref<6094848xi32, #tpu.memory_space<hbm>>, %arg4: memref<6094848xi32, #tpu.memory_space<hbm>>, %arg5: memref<2x6094848xf32, #tpu.memory_space<hbm>>, %arg6: memref<2048xi32, #tpu.memory_space<vmem>>, %arg7: memref<2048xi32, #tpu.memory_space<vmem>>, %arg8: memref<2048xf32, #tpu.memory_space<vmem>>, %arg9: memref<2048xf32, #tpu.memory_space<vmem>>, %arg10: memref<!tpu.dma_semaphore, #tpu.memory_space<semaphore_mem>>) attributes {dimension_semantics = [#tpu.dimension_semantics<core_parallel>, #tpu.dimension_semantics<subcore_parallel>], iteration_bounds = array<i64: 2, 16>, scalar_prefetch = 0 : i64, scratch_operands = 5 : i64, tpu.core_type = #tpu.core_type<sc_vector_subcore>, window_params = [{transform_indices = #map}, {transform_indices = #map}, {transform_indices = #map}, {transform_indices = #map1}]} {
    %mul3A = arith.constant 2 : i32
    %mul3A_0 = arith.muli %arg1, %mul3A : i32
    %add3A = arith.addi %mul3A_0, %arg0 : i32
    %mul3A_1 = arith.constant 190464 : i32
    %mul3A_2 = arith.muli %add3A, %mul3A_1 : i32
    %scan3A = arith.constant 0 : i32
    %scan3A_3 = arith.constant 0 : i32
    %scan3A_4 = arith.constant 93 : i32
    %scan3A_5 = arith.addi %scan3A_3, %scan3A_4 : i32
    %scan3A_6 = arith.constant 1 : i32
    scf.for %scan3A_8 = %scan3A_3 to %scan3A_5 step %scan3A_6  : i32 {
      %mul3A_9 = arith.constant 2048 : i32
      %mul3A_10 = arith.muli %scan3A_8, %mul3A_9 : i32
      %add3A_11 = arith.addi %mul3A_2, %mul3A_10 : i32
      "tpu.region"() ({
        %run_scoped3A_395 = tpu.sem_alloc : memref<!tpu.dma_semaphore, #tpu.memory_space<semaphore_mem>>
        %dma_start3A_396 = tpu.memref_slice %arg3[%add3A_11] : memref<6094848xi32, #tpu.memory_space<hbm>> -> memref<2048xi32, #tpu.memory_space<hbm>>
        %dma_start3A_397 = tpu.memref_slice %arg3[%add3A_11] : memref<6094848xi32, #tpu.memory_space<hbm>> -> memref<2048xi32, #tpu.memory_space<hbm>>
        tpu.enqueue_dma source(%dma_start3A_397 : memref<2048xi32, #tpu.memory_space<hbm>>) target(%arg6 : memref<2048xi32, #tpu.memory_space<vmem>>) target_semaphore(%run_scoped3A_395 : memref<!tpu.dma_semaphore, #tpu.memory_space<semaphore_mem>>)
        %dma_wait3A_398 = tpu.memref_slice %arg3[%add3A_11] : memref<6094848xi32, #tpu.memory_space<hbm>> -> memref<2048xi32, #tpu.memory_space<hbm>>
        %dma_wait3A_399 = tpu.memref_slice %arg3[%add3A_11] : memref<6094848xi32, #tpu.memory_space<hbm>> -> memref<2048xi32, #tpu.memory_space<hbm>>
        tpu.wait_dma2 semaphore(%run_scoped3A_395 : memref<!tpu.dma_semaphore, #tpu.memory_space<semaphore_mem>>) src(%dma_wait3A_399 : memref<2048xi32, #tpu.memory_space<hbm>>) dst(%arg6 : memref<2048xi32, #tpu.memory_space<vmem>>)
        tpu.yield
      }) : () -> ()
      "tpu.region"() ({
        %run_scoped3A_395 = tpu.sem_alloc : memref<!tpu.dma_semaphore, #tpu.memory_space<semaphore_mem>>
        %dma_start3A_396 = tpu.memref_slice %arg4[%add3A_11] : memref<6094848xi32, #tpu.memory_space<hbm>> -> memref<2048xi32, #tpu.memory_space<hbm>>
        %dma_start3A_397 = tpu.memref_slice %arg4[%add3A_11] : memref<6094848xi32, #tpu.memory_space<hbm>> -> memref<2048xi32, #tpu.memory_space<hbm>>
        tpu.enqueue_dma source(%dma_start3A_397 : memref<2048xi32, #tpu.memory_space<hbm>>) target(%arg7 : memref<2048xi32, #tpu.memory_space<vmem>>) target_semaphore(%run_scoped3A_395 : memref<!tpu.dma_semaphore, #tpu.memory_space<semaphore_mem>>)
        %dma_wait3A_398 = tpu.memref_slice %arg4[%add3A_11] : memref<6094848xi32, #tpu.memory_space<hbm>> -> memref<2048xi32, #tpu.memory_space<hbm>>
        %dma_wait3A_399 = tpu.memref_slice %arg4[%add3A_11] : memref<6094848xi32, #tpu.memory_space<hbm>> -> memref<2048xi32, #tpu.memory_space<hbm>>
        tpu.wait_dma2 semaphore(%run_scoped3A_395 : memref<!tpu.dma_semaphore, #tpu.memory_space<semaphore_mem>>) src(%dma_wait3A_399 : memref<2048xi32, #tpu.memory_space<hbm>>) dst(%arg7 : memref<2048xi32, #tpu.memory_space<vmem>>)
        tpu.yield
      }) : () -> ()
      %dma_start3A = arith.constant 0 : i32
      %dma_start3A_12 = tpu.memref_slice %arg8[%dma_start3A] : memref<2048xf32, #tpu.memory_space<vmem>> -> memref<128xf32, #tpu.memory_space<vmem>>
      %dma_start3A_13 = arith.constant 0 : i32
      %dma_start3A_14 = tpu.memref_slice %arg6[%dma_start3A_13] : memref<2048xi32, #tpu.memory_space<vmem>> -> memref<128xi32, #tpu.memory_space<vmem>>
      %dma_start3A_15 = arith.constant 0 : i32
      %dma_start3A_16 = tpu.memref_slice %arg2[%dma_start3A_15] : memref<16777216xf32, #tpu.memory_space<hbm>> -> memref<16777216xf32, #tpu.memory_space<hbm>>
      tpu.enqueue_indirect_dma source(%dma_start3A_16 : memref<16777216xf32, #tpu.memory_space<hbm>>) target(%dma_start3A_12 : memref<128xf32, #tpu.memory_space<vmem>>) offsets(%dma_start3A_14 : memref<128xi32, #tpu.memory_space<vmem>>) semaphore(%arg10 : memref<!tpu.dma_semaphore, #tpu.memory_space<semaphore_mem>>)
      %dma_start3A_17 = arith.constant 128 : i32
      %dma_start3A_18 = tpu.memref_slice %arg8[%dma_start3A_17] : memref<2048xf32, #tpu.memory_space<vmem>> -> memref<128xf32, #tpu.memory_space<vmem>>
      %dma_start3A_19 = arith.constant 128 : i32
      %dma_start3A_20 = tpu.memref_slice %arg6[%dma_start3A_19] : memref<2048xi32, #tpu.memory_space<vmem>> -> memref<128xi32, #tpu.memory_space<vmem>>
      %dma_start3A_21 = arith.constant 0 : i32
      %dma_start3A_22 = tpu.memref_slice %arg2[%dma_start3A_21] : memref<16777216xf32, #tpu.memory_space<hbm>> -> memref<16777216xf32, #tpu.memory_space<hbm>>
      tpu.enqueue_indirect_dma source(%dma_start3A_22 : memref<16777216xf32, #tpu.memory_space<hbm>>) target(%dma_start3A_18 : memref<128xf32, #tpu.memory_space<vmem>>) offsets(%dma_start3A_20 : memref<128xi32, #tpu.memory_space<vmem>>) semaphore(%arg10 : memref<!tpu.dma_semaphore, #tpu.memory_space<semaphore_mem>>)
      %dma_start3A_23 = arith.constant 256 : i32
      %dma_start3A_24 = tpu.memref_slice %arg8[%dma_start3A_23] : memref<2048xf32, #tpu.memory_space<vmem>> -> memref<128xf32, #tpu.memory_space<vmem>>
      %dma_start3A_25 = arith.constant 256 : i32
      %dma_start3A_26 = tpu.memref_slice %arg6[%dma_start3A_25] : memref<2048xi32, #tpu.memory_space<vmem>> -> memref<128xi32, #tpu.memory_space<vmem>>
      %dma_start3A_27 = arith.constant 0 : i32
      %dma_start3A_28 = tpu.memref_slice %arg2[%dma_start3A_27] : memref<16777216xf32, #tpu.memory_space<hbm>> -> memref<16777216xf32, #tpu.memory_space<hbm>>
      tpu.enqueue_indirect_dma source(%dma_start3A_28 : memref<16777216xf32, #tpu.memory_space<hbm>>) target(%dma_start3A_24 : memref<128xf32, #tpu.memory_space<vmem>>) offsets(%dma_start3A_26 : memref<128xi32, #tpu.memory_space<vmem>>) semaphore(%arg10 : memref<!tpu.dma_semaphore, #tpu.memory_space<semaphore_mem>>)
      %dma_start3A_29 = arith.constant 384 : i32
      %dma_start3A_30 = tpu.memref_slice %arg8[%dma_start3A_29] : memref<2048xf32, #tpu.memory_space<vmem>> -> memref<128xf32, #tpu.memory_space<vmem>>
      %dma_start3A_31 = arith.constant 384 : i32
      %dma_start3A_32 = tpu.memref_slice %arg6[%dma_start3A_31] : memref<2048xi32, #tpu.memory_space<vmem>> -> memref<128xi32, #tpu.memory_space<vmem>>
      %dma_start3A_33 = arith.constant 0 : i32
      %dma_start3A_34 = tpu.memref_slice %arg2[%dma_start3A_33] : memref<16777216xf32, #tpu.memory_space<hbm>> -> memref<16777216xf32, #tpu.memory_space<hbm>>
      tpu.enqueue_indirect_dma source(%dma_start3A_34 : memref<16777216xf32, #tpu.memory_space<hbm>>) target(%dma_start3A_30 : memref<128xf32, #tpu.memory_space<vmem>>) offsets(%dma_start3A_32 : memref<128xi32, #tpu.memory_space<vmem>>) semaphore(%arg10 : memref<!tpu.dma_semaphore, #tpu.memory_space<semaphore_mem>>)
      %dma_start3A_35 = arith.constant 512 : i32
      %dma_start3A_36 = tpu.memref_slice %arg8[%dma_start3A_35] : memref<2048xf32, #tpu.memory_space<vmem>> -> memref<128xf32, #tpu.memory_space<vmem>>
      %dma_start3A_37 = arith.constant 512 : i32
      %dma_start3A_38 = tpu.memref_slice %arg6[%dma_start3A_37] : memref<2048xi32, #tpu.memory_space<vmem>> -> memref<128xi32, #tpu.memory_space<vmem>>
      %dma_start3A_39 = arith.constant 0 : i32
      %dma_start3A_40 = tpu.memref_slice %arg2[%dma_start3A_39] : memref<16777216xf32, #tpu.memory_space<hbm>> -> memref<16777216xf32, #tpu.memory_space<hbm>>
      tpu.enqueue_indirect_dma source(%dma_start3A_40 : memref<16777216xf32, #tpu.memory_space<hbm>>) target(%dma_start3A_36 : memref<128xf32, #tpu.memory_space<vmem>>) offsets(%dma_start3A_38 : memref<128xi32, #tpu.memory_space<vmem>>) semaphore(%arg10 : memref<!tpu.dma_semaphore, #tpu.memory_space<semaphore_mem>>)
      %dma_start3A_41 = arith.constant 640 : i32
      %dma_start3A_42 = tpu.memref_slice %arg8[%dma_start3A_41] : memref<2048xf32, #tpu.memory_space<vmem>> -> memref<128xf32, #tpu.memory_space<vmem>>
      %dma_start3A_43 = arith.constant 640 : i32
      %dma_start3A_44 = tpu.memref_slice %arg6[%dma_start3A_43] : memref<2048xi32, #tpu.memory_space<vmem>> -> memref<128xi32, #tpu.memory_space<vmem>>
      %dma_start3A_45 = arith.constant 0 : i32
      %dma_start3A_46 = tpu.memref_slice %arg2[%dma_start3A_45] : memref<16777216xf32, #tpu.memory_space<hbm>> -> memref<16777216xf32, #tpu.memory_space<hbm>>
      tpu.enqueue_indirect_dma source(%dma_start3A_46 : memref<16777216xf32, #tpu.memory_space<hbm>>) target(%dma_start3A_42 : memref<128xf32, #tpu.memory_space<vmem>>) offsets(%dma_start3A_44 : memref<128xi32, #tpu.memory_space<vmem>>) semaphore(%arg10 : memref<!tpu.dma_semaphore, #tpu.memory_space<semaphore_mem>>)
      %dma_start3A_47 = arith.constant 768 : i32
      %dma_start3A_48 = tpu.memref_slice %arg8[%dma_start3A_47] : memref<2048xf32, #tpu.memory_space<vmem>> -> memref<128xf32, #tpu.memory_space<vmem>>
      %dma_start3A_49 = arith.constant 768 : i32
      %dma_start3A_50 = tpu.memref_slice %arg6[%dma_start3A_49] : memref<2048xi32, #tpu.memory_space<vmem>> -> memref<128xi32, #tpu.memory_space<vmem>>
      %dma_start3A_51 = arith.constant 0 : i32
      %dma_start3A_52 = tpu.memref_slice %arg2[%dma_start3A_51] : memref<16777216xf32, #tpu.memory_space<hbm>> -> memref<16777216xf32, #tpu.memory_space<hbm>>
      tpu.enqueue_indirect_dma source(%dma_start3A_52 : memref<16777216xf32, #tpu.memory_space<hbm>>) target(%dma_start3A_48 : memref<128xf32, #tpu.memory_space<vmem>>) offsets(%dma_start3A_50 : memref<128xi32, #tpu.memory_space<vmem>>) semaphore(%arg10 : memref<!tpu.dma_semaphore, #tpu.memory_space<semaphore_mem>>)
      %dma_start3A_53 = arith.constant 896 : i32
      %dma_start3A_54 = tpu.memref_slice %arg8[%dma_start3A_53] : memref<2048xf32, #tpu.memory_space<vmem>> -> memref<128xf32, #tpu.memory_space<vmem>>
      %dma_start3A_55 = arith.constant 896 : i32
      %dma_start3A_56 = tpu.memref_slice %arg6[%dma_start3A_55] : memref<2048xi32, #tpu.memory_space<vmem>> -> memref<128xi32, #tpu.memory_space<vmem>>
      %dma_start3A_57 = arith.constant 0 : i32
      %dma_start3A_58 = tpu.memref_slice %arg2[%dma_start3A_57] : memref<16777216xf32, #tpu.memory_space<hbm>> -> memref<16777216xf32, #tpu.memory_space<hbm>>
      tpu.enqueue_indirect_dma source(%dma_start3A_58 : memref<16777216xf32, #tpu.memory_space<hbm>>) target(%dma_start3A_54 : memref<128xf32, #tpu.memory_space<vmem>>) offsets(%dma_start3A_56 : memref<128xi32, #tpu.memory_space<vmem>>) semaphore(%arg10 : memref<!tpu.dma_semaphore, #tpu.memory_space<semaphore_mem>>)
      %dma_start3A_59 = arith.constant 1024 : i32
      %dma_start3A_60 = tpu.memref_slice %arg8[%dma_start3A_59] : memref<2048xf32, #tpu.memory_space<vmem>> -> memref<128xf32, #tpu.memory_space<vmem>>
      %dma_start3A_61 = arith.constant 1024 : i32
      %dma_start3A_62 = tpu.memref_slice %arg6[%dma_start3A_61] : memref<2048xi32, #tpu.memory_space<vmem>> -> memref<128xi32, #tpu.memory_space<vmem>>
      %dma_start3A_63 = arith.constant 0 : i32
      %dma_start3A_64 = tpu.memref_slice %arg2[%dma_start3A_63] : memref<16777216xf32, #tpu.memory_space<hbm>> -> memref<16777216xf32, #tpu.memory_space<hbm>>
      tpu.enqueue_indirect_dma source(%dma_start3A_64 : memref<16777216xf32, #tpu.memory_space<hbm>>) target(%dma_start3A_60 : memref<128xf32, #tpu.memory_space<vmem>>) offsets(%dma_start3A_62 : memref<128xi32, #tpu.memory_space<vmem>>) semaphore(%arg10 : memref<!tpu.dma_semaphore, #tpu.memory_space<semaphore_mem>>)
      %dma_start3A_65 = arith.constant 1152 : i32
      %dma_start3A_66 = tpu.memref_slice %arg8[%dma_start3A_65] : memref<2048xf32, #tpu.memory_space<vmem>> -> memref<128xf32, #tpu.memory_space<vmem>>
      %dma_start3A_67 = arith.constant 1152 : i32
      %dma_start3A_68 = tpu.memref_slice %arg6[%dma_start3A_67] : memref<2048xi32, #tpu.memory_space<vmem>> -> memref<128xi32, #tpu.memory_space<vmem>>
      %dma_start3A_69 = arith.constant 0 : i32
      %dma_start3A_70 = tpu.memref_slice %arg2[%dma_start3A_69] : memref<16777216xf32, #tpu.memory_space<hbm>> -> memref<16777216xf32, #tpu.memory_space<hbm>>
      tpu.enqueue_indirect_dma source(%dma_start3A_70 : memref<16777216xf32, #tpu.memory_space<hbm>>) target(%dma_start3A_66 : memref<128xf32, #tpu.memory_space<vmem>>) offsets(%dma_start3A_68 : memref<128xi32, #tpu.memory_space<vmem>>) semaphore(%arg10 : memref<!tpu.dma_semaphore, #tpu.memory_space<semaphore_mem>>)
      %dma_start3A_71 = arith.constant 1280 : i32
      %dma_start3A_72 = tpu.memref_slice %arg8[%dma_start3A_71] : memref<2048xf32, #tpu.memory_space<vmem>> -> memref<128xf32, #tpu.memory_space<vmem>>
      %dma_start3A_73 = arith.constant 1280 : i32
      %dma_start3A_74 = tpu.memref_slice %arg6[%dma_start3A_73] : memref<2048xi32, #tpu.memory_space<vmem>> -> memref<128xi32, #tpu.memory_space<vmem>>
      %dma_start3A_75 = arith.constant 0 : i32
      %dma_start3A_76 = tpu.memref_slice %arg2[%dma_start3A_75] : memref<16777216xf32, #tpu.memory_space<hbm>> -> memref<16777216xf32, #tpu.memory_space<hbm>>
      tpu.enqueue_indirect_dma source(%dma_start3A_76 : memref<16777216xf32, #tpu.memory_space<hbm>>) target(%dma_start3A_72 : memref<128xf32, #tpu.memory_space<vmem>>) offsets(%dma_start3A_74 : memref<128xi32, #tpu.memory_space<vmem>>) semaphore(%arg10 : memref<!tpu.dma_semaphore, #tpu.memory_space<semaphore_mem>>)
      %dma_start3A_77 = arith.constant 1408 : i32
      %dma_start3A_78 = tpu.memref_slice %arg8[%dma_start3A_77] : memref<2048xf32, #tpu.memory_space<vmem>> -> memref<128xf32, #tpu.memory_space<vmem>>
      %dma_start3A_79 = arith.constant 1408 : i32
      %dma_start3A_80 = tpu.memref_slice %arg6[%dma_start3A_79] : memref<2048xi32, #tpu.memory_space<vmem>> -> memref<128xi32, #tpu.memory_space<vmem>>
      %dma_start3A_81 = arith.constant 0 : i32
      %dma_start3A_82 = tpu.memref_slice %arg2[%dma_start3A_81] : memref<16777216xf32, #tpu.memory_space<hbm>> -> memref<16777216xf32, #tpu.memory_space<hbm>>
      tpu.enqueue_indirect_dma source(%dma_start3A_82 : memref<16777216xf32, #tpu.memory_space<hbm>>) target(%dma_start3A_78 : memref<128xf32, #tpu.memory_space<vmem>>) offsets(%dma_start3A_80 : memref<128xi32, #tpu.memory_space<vmem>>) semaphore(%arg10 : memref<!tpu.dma_semaphore, #tpu.memory_space<semaphore_mem>>)
      %dma_start3A_83 = arith.constant 1536 : i32
      %dma_start3A_84 = tpu.memref_slice %arg8[%dma_start3A_83] : memref<2048xf32, #tpu.memory_space<vmem>> -> memref<128xf32, #tpu.memory_space<vmem>>
      %dma_start3A_85 = arith.constant 1536 : i32
      %dma_start3A_86 = tpu.memref_slice %arg6[%dma_start3A_85] : memref<2048xi32, #tpu.memory_space<vmem>> -> memref<128xi32, #tpu.memory_space<vmem>>
      %dma_start3A_87 = arith.constant 0 : i32
      %dma_start3A_88 = tpu.memref_slice %arg2[%dma_start3A_87] : memref<16777216xf32, #tpu.memory_space<hbm>> -> memref<16777216xf32, #tpu.memory_space<hbm>>
      tpu.enqueue_indirect_dma source(%dma_start3A_88 : memref<16777216xf32, #tpu.memory_space<hbm>>) target(%dma_start3A_84 : memref<128xf32, #tpu.memory_space<vmem>>) offsets(%dma_start3A_86 : memref<128xi32, #tpu.memory_space<vmem>>) semaphore(%arg10 : memref<!tpu.dma_semaphore, #tpu.memory_space<semaphore_mem>>)
      %dma_start3A_89 = arith.constant 1664 : i32
      %dma_start3A_90 = tpu.memref_slice %arg8[%dma_start3A_89] : memref<2048xf32, #tpu.memory_space<vmem>> -> memref<128xf32, #tpu.memory_space<vmem>>
      %dma_start3A_91 = arith.constant 1664 : i32
      %dma_start3A_92 = tpu.memref_slice %arg6[%dma_start3A_91] : memref<2048xi32, #tpu.memory_space<vmem>> -> memref<128xi32, #tpu.memory_space<vmem>>
      %dma_start3A_93 = arith.constant 0 : i32
      %dma_start3A_94 = tpu.memref_slice %arg2[%dma_start3A_93] : memref<16777216xf32, #tpu.memory_space<hbm>> -> memref<16777216xf32, #tpu.memory_space<hbm>>
      tpu.enqueue_indirect_dma source(%dma_start3A_94 : memref<16777216xf32, #tpu.memory_space<hbm>>) target(%dma_start3A_90 : memref<128xf32, #tpu.memory_space<vmem>>) offsets(%dma_start3A_92 : memref<128xi32, #tpu.memory_space<vmem>>) semaphore(%arg10 : memref<!tpu.dma_semaphore, #tpu.memory_space<semaphore_mem>>)
      %dma_start3A_95 = arith.constant 1792 : i32
      %dma_start3A_96 = tpu.memref_slice %arg8[%dma_start3A_95] : memref<2048xf32, #tpu.memory_space<vmem>> -> memref<128xf32, #tpu.memory_space<vmem>>
      %dma_start3A_97 = arith.constant 1792 : i32
      %dma_start3A_98 = tpu.memref_slice %arg6[%dma_start3A_97] : memref<2048xi32, #tpu.memory_space<vmem>> -> memref<128xi32, #tpu.memory_space<vmem>>
      %dma_start3A_99 = arith.constant 0 : i32
      %dma_start3A_100 = tpu.memref_slice %arg2[%dma_start3A_99] : memref<16777216xf32, #tpu.memory_space<hbm>> -> memref<16777216xf32, #tpu.memory_space<hbm>>
      tpu.enqueue_indirect_dma source(%dma_start3A_100 : memref<16777216xf32, #tpu.memory_space<hbm>>) target(%dma_start3A_96 : memref<128xf32, #tpu.memory_space<vmem>>) offsets(%dma_start3A_98 : memref<128xi32, #tpu.memory_space<vmem>>) semaphore(%arg10 : memref<!tpu.dma_semaphore, #tpu.memory_space<semaphore_mem>>)
      %dma_start3A_101 = arith.constant 1920 : i32
      %dma_start3A_102 = tpu.memref_slice %arg8[%dma_start3A_101] : memref<2048xf32, #tpu.memory_space<vmem>> -> memref<128xf32, #tpu.memory_space<vmem>>
      %dma_start3A_103 = arith.constant 1920 : i32
      %dma_start3A_104 = tpu.memref_slice %arg6[%dma_start3A_103] : memref<2048xi32, #tpu.memory_space<vmem>> -> memref<128xi32, #tpu.memory_space<vmem>>
      %dma_start3A_105 = arith.constant 0 : i32
      %dma_start3A_106 = tpu.memref_slice %arg2[%dma_start3A_105] : memref<16777216xf32, #tpu.memory_space<hbm>> -> memref<16777216xf32, #tpu.memory_space<hbm>>
      tpu.enqueue_indirect_dma source(%dma_start3A_106 : memref<16777216xf32, #tpu.memory_space<hbm>>) target(%dma_start3A_102 : memref<128xf32, #tpu.memory_space<vmem>>) offsets(%dma_start3A_104 : memref<128xi32, #tpu.memory_space<vmem>>) semaphore(%arg10 : memref<!tpu.dma_semaphore, #tpu.memory_space<semaphore_mem>>)
      %dma_start3A_107 = arith.constant 0 : i32
      %dma_start3A_108 = tpu.memref_slice %arg9[%dma_start3A_107] : memref<2048xf32, #tpu.memory_space<vmem>> -> memref<128xf32, #tpu.memory_space<vmem>>
      %dma_start3A_109 = arith.constant 0 : i32
      %dma_start3A_110 = tpu.memref_slice %arg7[%dma_start3A_109] : memref<2048xi32, #tpu.memory_space<vmem>> -> memref<128xi32, #tpu.memory_space<vmem>>
      %dma_start3A_111 = arith.constant 0 : i32
      %dma_start3A_112 = tpu.memref_slice %arg2[%dma_start3A_111] : memref<16777216xf32, #tpu.memory_space<hbm>> -> memref<16777216xf32, #tpu.memory_space<hbm>>
      tpu.enqueue_indirect_dma source(%dma_start3A_112 : memref<16777216xf32, #tpu.memory_space<hbm>>) target(%dma_start3A_108 : memref<128xf32, #tpu.memory_space<vmem>>) offsets(%dma_start3A_110 : memref<128xi32, #tpu.memory_space<vmem>>) semaphore(%arg10 : memref<!tpu.dma_semaphore, #tpu.memory_space<semaphore_mem>>)
      %dma_start3A_113 = arith.constant 128 : i32
      %dma_start3A_114 = tpu.memref_slice %arg9[%dma_start3A_113] : memref<2048xf32, #tpu.memory_space<vmem>> -> memref<128xf32, #tpu.memory_space<vmem>>
      %dma_start3A_115 = arith.constant 128 : i32
      %dma_start3A_116 = tpu.memref_slice %arg7[%dma_start3A_115] : memref<2048xi32, #tpu.memory_space<vmem>> -> memref<128xi32, #tpu.memory_space<vmem>>
      %dma_start3A_117 = arith.constant 0 : i32
      %dma_start3A_118 = tpu.memref_slice %arg2[%dma_start3A_117] : memref<16777216xf32, #tpu.memory_space<hbm>> -> memref<16777216xf32, #tpu.memory_space<hbm>>
      tpu.enqueue_indirect_dma source(%dma_start3A_118 : memref<16777216xf32, #tpu.memory_space<hbm>>) target(%dma_start3A_114 : memref<128xf32, #tpu.memory_space<vmem>>) offsets(%dma_start3A_116 : memref<128xi32, #tpu.memory_space<vmem>>) semaphore(%arg10 : memref<!tpu.dma_semaphore, #tpu.memory_space<semaphore_mem>>)
      %dma_start3A_119 = arith.constant 256 : i32
      %dma_start3A_120 = tpu.memref_slice %arg9[%dma_start3A_119] : memref<2048xf32, #tpu.memory_space<vmem>> -> memref<128xf32, #tpu.memory_space<vmem>>
      %dma_start3A_121 = arith.constant 256 : i32
      %dma_start3A_122 = tpu.memref_slice %arg7[%dma_start3A_121] : memref<2048xi32, #tpu.memory_space<vmem>> -> memref<128xi32, #tpu.memory_space<vmem>>
      %dma_start3A_123 = arith.constant 0 : i32
      %dma_start3A_124 = tpu.memref_slice %arg2[%dma_start3A_123] : memref<16777216xf32, #tpu.memory_space<hbm>> -> memref<16777216xf32, #tpu.memory_space<hbm>>
      tpu.enqueue_indirect_dma source(%dma_start3A_124 : memref<16777216xf32, #tpu.memory_space<hbm>>) target(%dma_start3A_120 : memref<128xf32, #tpu.memory_space<vmem>>) offsets(%dma_start3A_122 : memref<128xi32, #tpu.memory_space<vmem>>) semaphore(%arg10 : memref<!tpu.dma_semaphore, #tpu.memory_space<semaphore_mem>>)
      %dma_start3A_125 = arith.constant 384 : i32
      %dma_start3A_126 = tpu.memref_slice %arg9[%dma_start3A_125] : memref<2048xf32, #tpu.memory_space<vmem>> -> memref<128xf32, #tpu.memory_space<vmem>>
      %dma_start3A_127 = arith.constant 384 : i32
      %dma_start3A_128 = tpu.memref_slice %arg7[%dma_start3A_127] : memref<2048xi32, #tpu.memory_space<vmem>> -> memref<128xi32, #tpu.memory_space<vmem>>
      %dma_start3A_129 = arith.constant 0 : i32
      %dma_start3A_130 = tpu.memref_slice %arg2[%dma_start3A_129] : memref<16777216xf32, #tpu.memory_space<hbm>> -> memref<16777216xf32, #tpu.memory_space<hbm>>
      tpu.enqueue_indirect_dma source(%dma_start3A_130 : memref<16777216xf32, #tpu.memory_space<hbm>>) target(%dma_start3A_126 : memref<128xf32, #tpu.memory_space<vmem>>) offsets(%dma_start3A_128 : memref<128xi32, #tpu.memory_space<vmem>>) semaphore(%arg10 : memref<!tpu.dma_semaphore, #tpu.memory_space<semaphore_mem>>)
      %dma_start3A_131 = arith.constant 512 : i32
      %dma_start3A_132 = tpu.memref_slice %arg9[%dma_start3A_131] : memref<2048xf32, #tpu.memory_space<vmem>> -> memref<128xf32, #tpu.memory_space<vmem>>
      %dma_start3A_133 = arith.constant 512 : i32
      %dma_start3A_134 = tpu.memref_slice %arg7[%dma_start3A_133] : memref<2048xi32, #tpu.memory_space<vmem>> -> memref<128xi32, #tpu.memory_space<vmem>>
      %dma_start3A_135 = arith.constant 0 : i32
      %dma_start3A_136 = tpu.memref_slice %arg2[%dma_start3A_135] : memref<16777216xf32, #tpu.memory_space<hbm>> -> memref<16777216xf32, #tpu.memory_space<hbm>>
      tpu.enqueue_indirect_dma source(%dma_start3A_136 : memref<16777216xf32, #tpu.memory_space<hbm>>) target(%dma_start3A_132 : memref<128xf32, #tpu.memory_space<vmem>>) offsets(%dma_start3A_134 : memref<128xi32, #tpu.memory_space<vmem>>) semaphore(%arg10 : memref<!tpu.dma_semaphore, #tpu.memory_space<semaphore_mem>>)
      %dma_start3A_137 = arith.constant 640 : i32
      %dma_start3A_138 = tpu.memref_slice %arg9[%dma_start3A_137] : memref<2048xf32, #tpu.memory_space<vmem>> -> memref<128xf32, #tpu.memory_space<vmem>>
      %dma_start3A_139 = arith.constant 640 : i32
      %dma_start3A_140 = tpu.memref_slice %arg7[%dma_start3A_139] : memref<2048xi32, #tpu.memory_space<vmem>> -> memref<128xi32, #tpu.memory_space<vmem>>
      %dma_start3A_141 = arith.constant 0 : i32
      %dma_start3A_142 = tpu.memref_slice %arg2[%dma_start3A_141] : memref<16777216xf32, #tpu.memory_space<hbm>> -> memref<16777216xf32, #tpu.memory_space<hbm>>
      tpu.enqueue_indirect_dma source(%dma_start3A_142 : memref<16777216xf32, #tpu.memory_space<hbm>>) target(%dma_start3A_138 : memref<128xf32, #tpu.memory_space<vmem>>) offsets(%dma_start3A_140 : memref<128xi32, #tpu.memory_space<vmem>>) semaphore(%arg10 : memref<!tpu.dma_semaphore, #tpu.memory_space<semaphore_mem>>)
      %dma_start3A_143 = arith.constant 768 : i32
      %dma_start3A_144 = tpu.memref_slice %arg9[%dma_start3A_143] : memref<2048xf32, #tpu.memory_space<vmem>> -> memref<128xf32, #tpu.memory_space<vmem>>
      %dma_start3A_145 = arith.constant 768 : i32
      %dma_start3A_146 = tpu.memref_slice %arg7[%dma_start3A_145] : memref<2048xi32, #tpu.memory_space<vmem>> -> memref<128xi32, #tpu.memory_space<vmem>>
      %dma_start3A_147 = arith.constant 0 : i32
      %dma_start3A_148 = tpu.memref_slice %arg2[%dma_start3A_147] : memref<16777216xf32, #tpu.memory_space<hbm>> -> memref<16777216xf32, #tpu.memory_space<hbm>>
      tpu.enqueue_indirect_dma source(%dma_start3A_148 : memref<16777216xf32, #tpu.memory_space<hbm>>) target(%dma_start3A_144 : memref<128xf32, #tpu.memory_space<vmem>>) offsets(%dma_start3A_146 : memref<128xi32, #tpu.memory_space<vmem>>) semaphore(%arg10 : memref<!tpu.dma_semaphore, #tpu.memory_space<semaphore_mem>>)
      %dma_start3A_149 = arith.constant 896 : i32
      %dma_start3A_150 = tpu.memref_slice %arg9[%dma_start3A_149] : memref<2048xf32, #tpu.memory_space<vmem>> -> memref<128xf32, #tpu.memory_space<vmem>>
      %dma_start3A_151 = arith.constant 896 : i32
      %dma_start3A_152 = tpu.memref_slice %arg7[%dma_start3A_151] : memref<2048xi32, #tpu.memory_space<vmem>> -> memref<128xi32, #tpu.memory_space<vmem>>
      %dma_start3A_153 = arith.constant 0 : i32
      %dma_start3A_154 = tpu.memref_slice %arg2[%dma_start3A_153] : memref<16777216xf32, #tpu.memory_space<hbm>> -> memref<16777216xf32, #tpu.memory_space<hbm>>
      tpu.enqueue_indirect_dma source(%dma_start3A_154 : memref<16777216xf32, #tpu.memory_space<hbm>>) target(%dma_start3A_150 : memref<128xf32, #tpu.memory_space<vmem>>) offsets(%dma_start3A_152 : memref<128xi32, #tpu.memory_space<vmem>>) semaphore(%arg10 : memref<!tpu.dma_semaphore, #tpu.memory_space<semaphore_mem>>)
      %dma_start3A_155 = arith.constant 1024 : i32
      %dma_start3A_156 = tpu.memref_slice %arg9[%dma_start3A_155] : memref<2048xf32, #tpu.memory_space<vmem>> -> memref<128xf32, #tpu.memory_space<vmem>>
      %dma_start3A_157 = arith.constant 1024 : i32
      %dma_start3A_158 = tpu.memref_slice %arg7[%dma_start3A_157] : memref<2048xi32, #tpu.memory_space<vmem>> -> memref<128xi32, #tpu.memory_space<vmem>>
      %dma_start3A_159 = arith.constant 0 : i32
      %dma_start3A_160 = tpu.memref_slice %arg2[%dma_start3A_159] : memref<16777216xf32, #tpu.memory_space<hbm>> -> memref<16777216xf32, #tpu.memory_space<hbm>>
      tpu.enqueue_indirect_dma source(%dma_start3A_160 : memref<16777216xf32, #tpu.memory_space<hbm>>) target(%dma_start3A_156 : memref<128xf32, #tpu.memory_space<vmem>>) offsets(%dma_start3A_158 : memref<128xi32, #tpu.memory_space<vmem>>) semaphore(%arg10 : memref<!tpu.dma_semaphore, #tpu.memory_space<semaphore_mem>>)
      %dma_start3A_161 = arith.constant 1152 : i32
      %dma_start3A_162 = tpu.memref_slice %arg9[%dma_start3A_161] : memref<2048xf32, #tpu.memory_space<vmem>> -> memref<128xf32, #tpu.memory_space<vmem>>
      %dma_start3A_163 = arith.constant 1152 : i32
      %dma_start3A_164 = tpu.memref_slice %arg7[%dma_start3A_163] : memref<2048xi32, #tpu.memory_space<vmem>> -> memref<128xi32, #tpu.memory_space<vmem>>
      %dma_start3A_165 = arith.constant 0 : i32
      %dma_start3A_166 = tpu.memref_slice %arg2[%dma_start3A_165] : memref<16777216xf32, #tpu.memory_space<hbm>> -> memref<16777216xf32, #tpu.memory_space<hbm>>
      tpu.enqueue_indirect_dma source(%dma_start3A_166 : memref<16777216xf32, #tpu.memory_space<hbm>>) target(%dma_start3A_162 : memref<128xf32, #tpu.memory_space<vmem>>) offsets(%dma_start3A_164 : memref<128xi32, #tpu.memory_space<vmem>>) semaphore(%arg10 : memref<!tpu.dma_semaphore, #tpu.memory_space<semaphore_mem>>)
      %dma_start3A_167 = arith.constant 1280 : i32
      %dma_start3A_168 = tpu.memref_slice %arg9[%dma_start3A_167] : memref<2048xf32, #tpu.memory_space<vmem>> -> memref<128xf32, #tpu.memory_space<vmem>>
      %dma_start3A_169 = arith.constant 1280 : i32
      %dma_start3A_170 = tpu.memref_slice %arg7[%dma_start3A_169] : memref<2048xi32, #tpu.memory_space<vmem>> -> memref<128xi32, #tpu.memory_space<vmem>>
      %dma_start3A_171 = arith.constant 0 : i32
      %dma_start3A_172 = tpu.memref_slice %arg2[%dma_start3A_171] : memref<16777216xf32, #tpu.memory_space<hbm>> -> memref<16777216xf32, #tpu.memory_space<hbm>>
      tpu.enqueue_indirect_dma source(%dma_start3A_172 : memref<16777216xf32, #tpu.memory_space<hbm>>) target(%dma_start3A_168 : memref<128xf32, #tpu.memory_space<vmem>>) offsets(%dma_start3A_170 : memref<128xi32, #tpu.memory_space<vmem>>) semaphore(%arg10 : memref<!tpu.dma_semaphore, #tpu.memory_space<semaphore_mem>>)
      %dma_start3A_173 = arith.constant 1408 : i32
      %dma_start3A_174 = tpu.memref_slice %arg9[%dma_start3A_173] : memref<2048xf32, #tpu.memory_space<vmem>> -> memref<128xf32, #tpu.memory_space<vmem>>
      %dma_start3A_175 = arith.constant 1408 : i32
      %dma_start3A_176 = tpu.memref_slice %arg7[%dma_start3A_175] : memref<2048xi32, #tpu.memory_space<vmem>> -> memref<128xi32, #tpu.memory_space<vmem>>
      %dma_start3A_177 = arith.constant 0 : i32
      %dma_start3A_178 = tpu.memref_slice %arg2[%dma_start3A_177] : memref<16777216xf32, #tpu.memory_space<hbm>> -> memref<16777216xf32, #tpu.memory_space<hbm>>
      tpu.enqueue_indirect_dma source(%dma_start3A_178 : memref<16777216xf32, #tpu.memory_space<hbm>>) target(%dma_start3A_174 : memref<128xf32, #tpu.memory_space<vmem>>) offsets(%dma_start3A_176 : memref<128xi32, #tpu.memory_space<vmem>>) semaphore(%arg10 : memref<!tpu.dma_semaphore, #tpu.memory_space<semaphore_mem>>)
      %dma_start3A_179 = arith.constant 1536 : i32
      %dma_start3A_180 = tpu.memref_slice %arg9[%dma_start3A_179] : memref<2048xf32, #tpu.memory_space<vmem>> -> memref<128xf32, #tpu.memory_space<vmem>>
      %dma_start3A_181 = arith.constant 1536 : i32
      %dma_start3A_182 = tpu.memref_slice %arg7[%dma_start3A_181] : memref<2048xi32, #tpu.memory_space<vmem>> -> memref<128xi32, #tpu.memory_space<vmem>>
      %dma_start3A_183 = arith.constant 0 : i32
      %dma_start3A_184 = tpu.memref_slice %arg2[%dma_start3A_183] : memref<16777216xf32, #tpu.memory_space<hbm>> -> memref<16777216xf32, #tpu.memory_space<hbm>>
      tpu.enqueue_indirect_dma source(%dma_start3A_184 : memref<16777216xf32, #tpu.memory_space<hbm>>) target(%dma_start3A_180 : memref<128xf32, #tpu.memory_space<vmem>>) offsets(%dma_start3A_182 : memref<128xi32, #tpu.memory_space<vmem>>) semaphore(%arg10 : memref<!tpu.dma_semaphore, #tpu.memory_space<semaphore_mem>>)
      %dma_start3A_185 = arith.constant 1664 : i32
      %dma_start3A_186 = tpu.memref_slice %arg9[%dma_start3A_185] : memref<2048xf32, #tpu.memory_space<vmem>> -> memref<128xf32, #tpu.memory_space<vmem>>
      %dma_start3A_187 = arith.constant 1664 : i32
      %dma_start3A_188 = tpu.memref_slice %arg7[%dma_start3A_187] : memref<2048xi32, #tpu.memory_space<vmem>> -> memref<128xi32, #tpu.memory_space<vmem>>
      %dma_start3A_189 = arith.constant 0 : i32
      %dma_start3A_190 = tpu.memref_slice %arg2[%dma_start3A_189] : memref<16777216xf32, #tpu.memory_space<hbm>> -> memref<16777216xf32, #tpu.memory_space<hbm>>
      tpu.enqueue_indirect_dma source(%dma_start3A_190 : memref<16777216xf32, #tpu.memory_space<hbm>>) target(%dma_start3A_186 : memref<128xf32, #tpu.memory_space<vmem>>) offsets(%dma_start3A_188 : memref<128xi32, #tpu.memory_space<vmem>>) semaphore(%arg10 : memref<!tpu.dma_semaphore, #tpu.memory_space<semaphore_mem>>)
      %dma_start3A_191 = arith.constant 1792 : i32
      %dma_start3A_192 = tpu.memref_slice %arg9[%dma_start3A_191] : memref<2048xf32, #tpu.memory_space<vmem>> -> memref<128xf32, #tpu.memory_space<vmem>>
      %dma_start3A_193 = arith.constant 1792 : i32
      %dma_start3A_194 = tpu.memref_slice %arg7[%dma_start3A_193] : memref<2048xi32, #tpu.memory_space<vmem>> -> memref<128xi32, #tpu.memory_space<vmem>>
      %dma_start3A_195 = arith.constant 0 : i32
      %dma_start3A_196 = tpu.memref_slice %arg2[%dma_start3A_195] : memref<16777216xf32, #tpu.memory_space<hbm>> -> memref<16777216xf32, #tpu.memory_space<hbm>>
      tpu.enqueue_indirect_dma source(%dma_start3A_196 : memref<16777216xf32, #tpu.memory_space<hbm>>) target(%dma_start3A_192 : memref<128xf32, #tpu.memory_space<vmem>>) offsets(%dma_start3A_194 : memref<128xi32, #tpu.memory_space<vmem>>) semaphore(%arg10 : memref<!tpu.dma_semaphore, #tpu.memory_space<semaphore_mem>>)
      %dma_start3A_197 = arith.constant 1920 : i32
      %dma_start3A_198 = tpu.memref_slice %arg9[%dma_start3A_197] : memref<2048xf32, #tpu.memory_space<vmem>> -> memref<128xf32, #tpu.memory_space<vmem>>
      %dma_start3A_199 = arith.constant 1920 : i32
      %dma_start3A_200 = tpu.memref_slice %arg7[%dma_start3A_199] : memref<2048xi32, #tpu.memory_space<vmem>> -> memref<128xi32, #tpu.memory_space<vmem>>
      %dma_start3A_201 = arith.constant 0 : i32
      %dma_start3A_202 = tpu.memref_slice %arg2[%dma_start3A_201] : memref<16777216xf32, #tpu.memory_space<hbm>> -> memref<16777216xf32, #tpu.memory_space<hbm>>
      tpu.enqueue_indirect_dma source(%dma_start3A_202 : memref<16777216xf32, #tpu.memory_space<hbm>>) target(%dma_start3A_198 : memref<128xf32, #tpu.memory_space<vmem>>) offsets(%dma_start3A_200 : memref<128xi32, #tpu.memory_space<vmem>>) semaphore(%arg10 : memref<!tpu.dma_semaphore, #tpu.memory_space<semaphore_mem>>)
      %dma_wait3A = arith.constant 0 : i32
      %dma_wait3A_203 = tpu.memref_slice %arg8[%dma_wait3A] : memref<2048xf32, #tpu.memory_space<vmem>> -> memref<128xf32, #tpu.memory_space<vmem>>
      %dma_wait3A_204 = arith.constant 0 : i32
      %dma_wait3A_205 = tpu.memref_slice %arg6[%dma_wait3A_204] : memref<2048xi32, #tpu.memory_space<vmem>> -> memref<128xi32, #tpu.memory_space<vmem>>
      %dma_wait3A_206 = arith.constant 0 : i32
      %dma_wait3A_207 = tpu.memref_slice %arg2[%dma_wait3A_206] : memref<16777216xf32, #tpu.memory_space<hbm>> -> memref<16777216xf32, #tpu.memory_space<hbm>>
      tpu.wait_indirect_dma semaphore(%arg10 : memref<!tpu.dma_semaphore, #tpu.memory_space<semaphore_mem>>) src(%dma_wait3A_207 : memref<16777216xf32, #tpu.memory_space<hbm>>) dst(%dma_wait3A_203 : memref<128xf32, #tpu.memory_space<vmem>>)
      %dma_wait3A_208 = arith.constant 128 : i32
      %dma_wait3A_209 = tpu.memref_slice %arg8[%dma_wait3A_208] : memref<2048xf32, #tpu.memory_space<vmem>> -> memref<128xf32, #tpu.memory_space<vmem>>
      %dma_wait3A_210 = arith.constant 128 : i32
      %dma_wait3A_211 = tpu.memref_slice %arg6[%dma_wait3A_210] : memref<2048xi32, #tpu.memory_space<vmem>> -> memref<128xi32, #tpu.memory_space<vmem>>
      %dma_wait3A_212 = arith.constant 0 : i32
      %dma_wait3A_213 = tpu.memref_slice %arg2[%dma_wait3A_212] : memref<16777216xf32, #tpu.memory_space<hbm>> -> memref<16777216xf32, #tpu.memory_space<hbm>>
      tpu.wait_indirect_dma semaphore(%arg10 : memref<!tpu.dma_semaphore, #tpu.memory_space<semaphore_mem>>) src(%dma_wait3A_213 : memref<16777216xf32, #tpu.memory_space<hbm>>) dst(%dma_wait3A_209 : memref<128xf32, #tpu.memory_space<vmem>>)
      %dma_wait3A_214 = arith.constant 256 : i32
      %dma_wait3A_215 = tpu.memref_slice %arg8[%dma_wait3A_214] : memref<2048xf32, #tpu.memory_space<vmem>> -> memref<128xf32, #tpu.memory_space<vmem>>
      %dma_wait3A_216 = arith.constant 256 : i32
      %dma_wait3A_217 = tpu.memref_slice %arg6[%dma_wait3A_216] : memref<2048xi32, #tpu.memory_space<vmem>> -> memref<128xi32, #tpu.memory_space<vmem>>
      %dma_wait3A_218 = arith.constant 0 : i32
      %dma_wait3A_219 = tpu.memref_slice %arg2[%dma_wait3A_218] : memref<16777216xf32, #tpu.memory_space<hbm>> -> memref<16777216xf32, #tpu.memory_space<hbm>>
      tpu.wait_indirect_dma semaphore(%arg10 : memref<!tpu.dma_semaphore, #tpu.memory_space<semaphore_mem>>) src(%dma_wait3A_219 : memref<16777216xf32, #tpu.memory_space<hbm>>) dst(%dma_wait3A_215 : memref<128xf32, #tpu.memory_space<vmem>>)
      %dma_wait3A_220 = arith.constant 384 : i32
      %dma_wait3A_221 = tpu.memref_slice %arg8[%dma_wait3A_220] : memref<2048xf32, #tpu.memory_space<vmem>> -> memref<128xf32, #tpu.memory_space<vmem>>
      %dma_wait3A_222 = arith.constant 384 : i32
      %dma_wait3A_223 = tpu.memref_slice %arg6[%dma_wait3A_222] : memref<2048xi32, #tpu.memory_space<vmem>> -> memref<128xi32, #tpu.memory_space<vmem>>
      %dma_wait3A_224 = arith.constant 0 : i32
      %dma_wait3A_225 = tpu.memref_slice %arg2[%dma_wait3A_224] : memref<16777216xf32, #tpu.memory_space<hbm>> -> memref<16777216xf32, #tpu.memory_space<hbm>>
      tpu.wait_indirect_dma semaphore(%arg10 : memref<!tpu.dma_semaphore, #tpu.memory_space<semaphore_mem>>) src(%dma_wait3A_225 : memref<16777216xf32, #tpu.memory_space<hbm>>) dst(%dma_wait3A_221 : memref<128xf32, #tpu.memory_space<vmem>>)
      %dma_wait3A_226 = arith.constant 512 : i32
      %dma_wait3A_227 = tpu.memref_slice %arg8[%dma_wait3A_226] : memref<2048xf32, #tpu.memory_space<vmem>> -> memref<128xf32, #tpu.memory_space<vmem>>
      %dma_wait3A_228 = arith.constant 512 : i32
      %dma_wait3A_229 = tpu.memref_slice %arg6[%dma_wait3A_228] : memref<2048xi32, #tpu.memory_space<vmem>> -> memref<128xi32, #tpu.memory_space<vmem>>
      %dma_wait3A_230 = arith.constant 0 : i32
      %dma_wait3A_231 = tpu.memref_slice %arg2[%dma_wait3A_230] : memref<16777216xf32, #tpu.memory_space<hbm>> -> memref<16777216xf32, #tpu.memory_space<hbm>>
      tpu.wait_indirect_dma semaphore(%arg10 : memref<!tpu.dma_semaphore, #tpu.memory_space<semaphore_mem>>) src(%dma_wait3A_231 : memref<16777216xf32, #tpu.memory_space<hbm>>) dst(%dma_wait3A_227 : memref<128xf32, #tpu.memory_space<vmem>>)
      %dma_wait3A_232 = arith.constant 640 : i32
      %dma_wait3A_233 = tpu.memref_slice %arg8[%dma_wait3A_232] : memref<2048xf32, #tpu.memory_space<vmem>> -> memref<128xf32, #tpu.memory_space<vmem>>
      %dma_wait3A_234 = arith.constant 640 : i32
      %dma_wait3A_235 = tpu.memref_slice %arg6[%dma_wait3A_234] : memref<2048xi32, #tpu.memory_space<vmem>> -> memref<128xi32, #tpu.memory_space<vmem>>
      %dma_wait3A_236 = arith.constant 0 : i32
      %dma_wait3A_237 = tpu.memref_slice %arg2[%dma_wait3A_236] : memref<16777216xf32, #tpu.memory_space<hbm>> -> memref<16777216xf32, #tpu.memory_space<hbm>>
      tpu.wait_indirect_dma semaphore(%arg10 : memref<!tpu.dma_semaphore, #tpu.memory_space<semaphore_mem>>) src(%dma_wait3A_237 : memref<16777216xf32, #tpu.memory_space<hbm>>) dst(%dma_wait3A_233 : memref<128xf32, #tpu.memory_space<vmem>>)
      %dma_wait3A_238 = arith.constant 768 : i32
      %dma_wait3A_239 = tpu.memref_slice %arg8[%dma_wait3A_238] : memref<2048xf32, #tpu.memory_space<vmem>> -> memref<128xf32, #tpu.memory_space<vmem>>
      %dma_wait3A_240 = arith.constant 768 : i32
      %dma_wait3A_241 = tpu.memref_slice %arg6[%dma_wait3A_240] : memref<2048xi32, #tpu.memory_space<vmem>> -> memref<128xi32, #tpu.memory_space<vmem>>
      %dma_wait3A_242 = arith.constant 0 : i32
      %dma_wait3A_243 = tpu.memref_slice %arg2[%dma_wait3A_242] : memref<16777216xf32, #tpu.memory_space<hbm>> -> memref<16777216xf32, #tpu.memory_space<hbm>>
      tpu.wait_indirect_dma semaphore(%arg10 : memref<!tpu.dma_semaphore, #tpu.memory_space<semaphore_mem>>) src(%dma_wait3A_243 : memref<16777216xf32, #tpu.memory_space<hbm>>) dst(%dma_wait3A_239 : memref<128xf32, #tpu.memory_space<vmem>>)
      %dma_wait3A_244 = arith.constant 896 : i32
      %dma_wait3A_245 = tpu.memref_slice %arg8[%dma_wait3A_244] : memref<2048xf32, #tpu.memory_space<vmem>> -> memref<128xf32, #tpu.memory_space<vmem>>
      %dma_wait3A_246 = arith.constant 896 : i32
      %dma_wait3A_247 = tpu.memref_slice %arg6[%dma_wait3A_246] : memref<2048xi32, #tpu.memory_space<vmem>> -> memref<128xi32, #tpu.memory_space<vmem>>
      %dma_wait3A_248 = arith.constant 0 : i32
      %dma_wait3A_249 = tpu.memref_slice %arg2[%dma_wait3A_248] : memref<16777216xf32, #tpu.memory_space<hbm>> -> memref<16777216xf32, #tpu.memory_space<hbm>>
      tpu.wait_indirect_dma semaphore(%arg10 : memref<!tpu.dma_semaphore, #tpu.memory_space<semaphore_mem>>) src(%dma_wait3A_249 : memref<16777216xf32, #tpu.memory_space<hbm>>) dst(%dma_wait3A_245 : memref<128xf32, #tpu.memory_space<vmem>>)
      %dma_wait3A_250 = arith.constant 1024 : i32
      %dma_wait3A_251 = tpu.memref_slice %arg8[%dma_wait3A_250] : memref<2048xf32, #tpu.memory_space<vmem>> -> memref<128xf32, #tpu.memory_space<vmem>>
      %dma_wait3A_252 = arith.constant 1024 : i32
      %dma_wait3A_253 = tpu.memref_slice %arg6[%dma_wait3A_252] : memref<2048xi32, #tpu.memory_space<vmem>> -> memref<128xi32, #tpu.memory_space<vmem>>
      %dma_wait3A_254 = arith.constant 0 : i32
      %dma_wait3A_255 = tpu.memref_slice %arg2[%dma_wait3A_254] : memref<16777216xf32, #tpu.memory_space<hbm>> -> memref<16777216xf32, #tpu.memory_space<hbm>>
      tpu.wait_indirect_dma semaphore(%arg10 : memref<!tpu.dma_semaphore, #tpu.memory_space<semaphore_mem>>) src(%dma_wait3A_255 : memref<16777216xf32, #tpu.memory_space<hbm>>) dst(%dma_wait3A_251 : memref<128xf32, #tpu.memory_space<vmem>>)
      %dma_wait3A_256 = arith.constant 1152 : i32
      %dma_wait3A_257 = tpu.memref_slice %arg8[%dma_wait3A_256] : memref<2048xf32, #tpu.memory_space<vmem>> -> memref<128xf32, #tpu.memory_space<vmem>>
      %dma_wait3A_258 = arith.constant 1152 : i32
      %dma_wait3A_259 = tpu.memref_slice %arg6[%dma_wait3A_258] : memref<2048xi32, #tpu.memory_space<vmem>> -> memref<128xi32, #tpu.memory_space<vmem>>
      %dma_wait3A_260 = arith.constant 0 : i32
      %dma_wait3A_261 = tpu.memref_slice %arg2[%dma_wait3A_260] : memref<16777216xf32, #tpu.memory_space<hbm>> -> memref<16777216xf32, #tpu.memory_space<hbm>>
      tpu.wait_indirect_dma semaphore(%arg10 : memref<!tpu.dma_semaphore, #tpu.memory_space<semaphore_mem>>) src(%dma_wait3A_261 : memref<16777216xf32, #tpu.memory_space<hbm>>) dst(%dma_wait3A_257 : memref<128xf32, #tpu.memory_space<vmem>>)
      %dma_wait3A_262 = arith.constant 1280 : i32
      %dma_wait3A_263 = tpu.memref_slice %arg8[%dma_wait3A_262] : memref<2048xf32, #tpu.memory_space<vmem>> -> memref<128xf32, #tpu.memory_space<vmem>>
      %dma_wait3A_264 = arith.constant 1280 : i32
      %dma_wait3A_265 = tpu.memref_slice %arg6[%dma_wait3A_264] : memref<2048xi32, #tpu.memory_space<vmem>> -> memref<128xi32, #tpu.memory_space<vmem>>
      %dma_wait3A_266 = arith.constant 0 : i32
      %dma_wait3A_267 = tpu.memref_slice %arg2[%dma_wait3A_266] : memref<16777216xf32, #tpu.memory_space<hbm>> -> memref<16777216xf32, #tpu.memory_space<hbm>>
      tpu.wait_indirect_dma semaphore(%arg10 : memref<!tpu.dma_semaphore, #tpu.memory_space<semaphore_mem>>) src(%dma_wait3A_267 : memref<16777216xf32, #tpu.memory_space<hbm>>) dst(%dma_wait3A_263 : memref<128xf32, #tpu.memory_space<vmem>>)
      %dma_wait3A_268 = arith.constant 1408 : i32
      %dma_wait3A_269 = tpu.memref_slice %arg8[%dma_wait3A_268] : memref<2048xf32, #tpu.memory_space<vmem>> -> memref<128xf32, #tpu.memory_space<vmem>>
      %dma_wait3A_270 = arith.constant 1408 : i32
      %dma_wait3A_271 = tpu.memref_slice %arg6[%dma_wait3A_270] : memref<2048xi32, #tpu.memory_space<vmem>> -> memref<128xi32, #tpu.memory_space<vmem>>
      %dma_wait3A_272 = arith.constant 0 : i32
      %dma_wait3A_273 = tpu.memref_slice %arg2[%dma_wait3A_272] : memref<16777216xf32, #tpu.memory_space<hbm>> -> memref<16777216xf32, #tpu.memory_space<hbm>>
      tpu.wait_indirect_dma semaphore(%arg10 : memref<!tpu.dma_semaphore, #tpu.memory_space<semaphore_mem>>) src(%dma_wait3A_273 : memref<16777216xf32, #tpu.memory_space<hbm>>) dst(%dma_wait3A_269 : memref<128xf32, #tpu.memory_space<vmem>>)
      %dma_wait3A_274 = arith.constant 1536 : i32
      %dma_wait3A_275 = tpu.memref_slice %arg8[%dma_wait3A_274] : memref<2048xf32, #tpu.memory_space<vmem>> -> memref<128xf32, #tpu.memory_space<vmem>>
      %dma_wait3A_276 = arith.constant 1536 : i32
      %dma_wait3A_277 = tpu.memref_slice %arg6[%dma_wait3A_276] : memref<2048xi32, #tpu.memory_space<vmem>> -> memref<128xi32, #tpu.memory_space<vmem>>
      %dma_wait3A_278 = arith.constant 0 : i32
      %dma_wait3A_279 = tpu.memref_slice %arg2[%dma_wait3A_278] : memref<16777216xf32, #tpu.memory_space<hbm>> -> memref<16777216xf32, #tpu.memory_space<hbm>>
      tpu.wait_indirect_dma semaphore(%arg10 : memref<!tpu.dma_semaphore, #tpu.memory_space<semaphore_mem>>) src(%dma_wait3A_279 : memref<16777216xf32, #tpu.memory_space<hbm>>) dst(%dma_wait3A_275 : memref<128xf32, #tpu.memory_space<vmem>>)
      %dma_wait3A_280 = arith.constant 1664 : i32
      %dma_wait3A_281 = tpu.memref_slice %arg8[%dma_wait3A_280] : memref<2048xf32, #tpu.memory_space<vmem>> -> memref<128xf32, #tpu.memory_space<vmem>>
      %dma_wait3A_282 = arith.constant 1664 : i32
      %dma_wait3A_283 = tpu.memref_slice %arg6[%dma_wait3A_282] : memref<2048xi32, #tpu.memory_space<vmem>> -> memref<128xi32, #tpu.memory_space<vmem>>
      %dma_wait3A_284 = arith.constant 0 : i32
      %dma_wait3A_285 = tpu.memref_slice %arg2[%dma_wait3A_284] : memref<16777216xf32, #tpu.memory_space<hbm>> -> memref<16777216xf32, #tpu.memory_space<hbm>>
      tpu.wait_indirect_dma semaphore(%arg10 : memref<!tpu.dma_semaphore, #tpu.memory_space<semaphore_mem>>) src(%dma_wait3A_285 : memref<16777216xf32, #tpu.memory_space<hbm>>) dst(%dma_wait3A_281 : memref<128xf32, #tpu.memory_space<vmem>>)
      %dma_wait3A_286 = arith.constant 1792 : i32
      %dma_wait3A_287 = tpu.memref_slice %arg8[%dma_wait3A_286] : memref<2048xf32, #tpu.memory_space<vmem>> -> memref<128xf32, #tpu.memory_space<vmem>>
      %dma_wait3A_288 = arith.constant 1792 : i32
      %dma_wait3A_289 = tpu.memref_slice %arg6[%dma_wait3A_288] : memref<2048xi32, #tpu.memory_space<vmem>> -> memref<128xi32, #tpu.memory_space<vmem>>
      %dma_wait3A_290 = arith.constant 0 : i32
      %dma_wait3A_291 = tpu.memref_slice %arg2[%dma_wait3A_290] : memref<16777216xf32, #tpu.memory_space<hbm>> -> memref<16777216xf32, #tpu.memory_space<hbm>>
      tpu.wait_indirect_dma semaphore(%arg10 : memref<!tpu.dma_semaphore, #tpu.memory_space<semaphore_mem>>) src(%dma_wait3A_291 : memref<16777216xf32, #tpu.memory_space<hbm>>) dst(%dma_wait3A_287 : memref<128xf32, #tpu.memory_space<vmem>>)
      %dma_wait3A_292 = arith.constant 1920 : i32
      %dma_wait3A_293 = tpu.memref_slice %arg8[%dma_wait3A_292] : memref<2048xf32, #tpu.memory_space<vmem>> -> memref<128xf32, #tpu.memory_space<vmem>>
      %dma_wait3A_294 = arith.constant 1920 : i32
      %dma_wait3A_295 = tpu.memref_slice %arg6[%dma_wait3A_294] : memref<2048xi32, #tpu.memory_space<vmem>> -> memref<128xi32, #tpu.memory_space<vmem>>
      %dma_wait3A_296 = arith.constant 0 : i32
      %dma_wait3A_297 = tpu.memref_slice %arg2[%dma_wait3A_296] : memref<16777216xf32, #tpu.memory_space<hbm>> -> memref<16777216xf32, #tpu.memory_space<hbm>>
      tpu.wait_indirect_dma semaphore(%arg10 : memref<!tpu.dma_semaphore, #tpu.memory_space<semaphore_mem>>) src(%dma_wait3A_297 : memref<16777216xf32, #tpu.memory_space<hbm>>) dst(%dma_wait3A_293 : memref<128xf32, #tpu.memory_space<vmem>>)
      %dma_wait3A_298 = arith.constant 0 : i32
      %dma_wait3A_299 = tpu.memref_slice %arg9[%dma_wait3A_298] : memref<2048xf32, #tpu.memory_space<vmem>> -> memref<128xf32, #tpu.memory_space<vmem>>
      %dma_wait3A_300 = arith.constant 0 : i32
      %dma_wait3A_301 = tpu.memref_slice %arg7[%dma_wait3A_300] : memref<2048xi32, #tpu.memory_space<vmem>> -> memref<128xi32, #tpu.memory_space<vmem>>
      %dma_wait3A_302 = arith.constant 0 : i32
      %dma_wait3A_303 = tpu.memref_slice %arg2[%dma_wait3A_302] : memref<16777216xf32, #tpu.memory_space<hbm>> -> memref<16777216xf32, #tpu.memory_space<hbm>>
      tpu.wait_indirect_dma semaphore(%arg10 : memref<!tpu.dma_semaphore, #tpu.memory_space<semaphore_mem>>) src(%dma_wait3A_303 : memref<16777216xf32, #tpu.memory_space<hbm>>) dst(%dma_wait3A_299 : memref<128xf32, #tpu.memory_space<vmem>>)
      %dma_wait3A_304 = arith.constant 128 : i32
      %dma_wait3A_305 = tpu.memref_slice %arg9[%dma_wait3A_304] : memref<2048xf32, #tpu.memory_space<vmem>> -> memref<128xf32, #tpu.memory_space<vmem>>
      %dma_wait3A_306 = arith.constant 128 : i32
      %dma_wait3A_307 = tpu.memref_slice %arg7[%dma_wait3A_306] : memref<2048xi32, #tpu.memory_space<vmem>> -> memref<128xi32, #tpu.memory_space<vmem>>
      %dma_wait3A_308 = arith.constant 0 : i32
      %dma_wait3A_309 = tpu.memref_slice %arg2[%dma_wait3A_308] : memref<16777216xf32, #tpu.memory_space<hbm>> -> memref<16777216xf32, #tpu.memory_space<hbm>>
      tpu.wait_indirect_dma semaphore(%arg10 : memref<!tpu.dma_semaphore, #tpu.memory_space<semaphore_mem>>) src(%dma_wait3A_309 : memref<16777216xf32, #tpu.memory_space<hbm>>) dst(%dma_wait3A_305 : memref<128xf32, #tpu.memory_space<vmem>>)
      %dma_wait3A_310 = arith.constant 256 : i32
      %dma_wait3A_311 = tpu.memref_slice %arg9[%dma_wait3A_310] : memref<2048xf32, #tpu.memory_space<vmem>> -> memref<128xf32, #tpu.memory_space<vmem>>
      %dma_wait3A_312 = arith.constant 256 : i32
      %dma_wait3A_313 = tpu.memref_slice %arg7[%dma_wait3A_312] : memref<2048xi32, #tpu.memory_space<vmem>> -> memref<128xi32, #tpu.memory_space<vmem>>
      %dma_wait3A_314 = arith.constant 0 : i32
      %dma_wait3A_315 = tpu.memref_slice %arg2[%dma_wait3A_314] : memref<16777216xf32, #tpu.memory_space<hbm>> -> memref<16777216xf32, #tpu.memory_space<hbm>>
      tpu.wait_indirect_dma semaphore(%arg10 : memref<!tpu.dma_semaphore, #tpu.memory_space<semaphore_mem>>) src(%dma_wait3A_315 : memref<16777216xf32, #tpu.memory_space<hbm>>) dst(%dma_wait3A_311 : memref<128xf32, #tpu.memory_space<vmem>>)
      %dma_wait3A_316 = arith.constant 384 : i32
      %dma_wait3A_317 = tpu.memref_slice %arg9[%dma_wait3A_316] : memref<2048xf32, #tpu.memory_space<vmem>> -> memref<128xf32, #tpu.memory_space<vmem>>
      %dma_wait3A_318 = arith.constant 384 : i32
      %dma_wait3A_319 = tpu.memref_slice %arg7[%dma_wait3A_318] : memref<2048xi32, #tpu.memory_space<vmem>> -> memref<128xi32, #tpu.memory_space<vmem>>
      %dma_wait3A_320 = arith.constant 0 : i32
      %dma_wait3A_321 = tpu.memref_slice %arg2[%dma_wait3A_320] : memref<16777216xf32, #tpu.memory_space<hbm>> -> memref<16777216xf32, #tpu.memory_space<hbm>>
      tpu.wait_indirect_dma semaphore(%arg10 : memref<!tpu.dma_semaphore, #tpu.memory_space<semaphore_mem>>) src(%dma_wait3A_321 : memref<16777216xf32, #tpu.memory_space<hbm>>) dst(%dma_wait3A_317 : memref<128xf32, #tpu.memory_space<vmem>>)
      %dma_wait3A_322 = arith.constant 512 : i32
      %dma_wait3A_323 = tpu.memref_slice %arg9[%dma_wait3A_322] : memref<2048xf32, #tpu.memory_space<vmem>> -> memref<128xf32, #tpu.memory_space<vmem>>
      %dma_wait3A_324 = arith.constant 512 : i32
      %dma_wait3A_325 = tpu.memref_slice %arg7[%dma_wait3A_324] : memref<2048xi32, #tpu.memory_space<vmem>> -> memref<128xi32, #tpu.memory_space<vmem>>
      %dma_wait3A_326 = arith.constant 0 : i32
      %dma_wait3A_327 = tpu.memref_slice %arg2[%dma_wait3A_326] : memref<16777216xf32, #tpu.memory_space<hbm>> -> memref<16777216xf32, #tpu.memory_space<hbm>>
      tpu.wait_indirect_dma semaphore(%arg10 : memref<!tpu.dma_semaphore, #tpu.memory_space<semaphore_mem>>) src(%dma_wait3A_327 : memref<16777216xf32, #tpu.memory_space<hbm>>) dst(%dma_wait3A_323 : memref<128xf32, #tpu.memory_space<vmem>>)
      %dma_wait3A_328 = arith.constant 640 : i32
      %dma_wait3A_329 = tpu.memref_slice %arg9[%dma_wait3A_328] : memref<2048xf32, #tpu.memory_space<vmem>> -> memref<128xf32, #tpu.memory_space<vmem>>
      %dma_wait3A_330 = arith.constant 640 : i32
      %dma_wait3A_331 = tpu.memref_slice %arg7[%dma_wait3A_330] : memref<2048xi32, #tpu.memory_space<vmem>> -> memref<128xi32, #tpu.memory_space<vmem>>
      %dma_wait3A_332 = arith.constant 0 : i32
      %dma_wait3A_333 = tpu.memref_slice %arg2[%dma_wait3A_332] : memref<16777216xf32, #tpu.memory_space<hbm>> -> memref<16777216xf32, #tpu.memory_space<hbm>>
      tpu.wait_indirect_dma semaphore(%arg10 : memref<!tpu.dma_semaphore, #tpu.memory_space<semaphore_mem>>) src(%dma_wait3A_333 : memref<16777216xf32, #tpu.memory_space<hbm>>) dst(%dma_wait3A_329 : memref<128xf32, #tpu.memory_space<vmem>>)
      %dma_wait3A_334 = arith.constant 768 : i32
      %dma_wait3A_335 = tpu.memref_slice %arg9[%dma_wait3A_334] : memref<2048xf32, #tpu.memory_space<vmem>> -> memref<128xf32, #tpu.memory_space<vmem>>
      %dma_wait3A_336 = arith.constant 768 : i32
      %dma_wait3A_337 = tpu.memref_slice %arg7[%dma_wait3A_336] : memref<2048xi32, #tpu.memory_space<vmem>> -> memref<128xi32, #tpu.memory_space<vmem>>
      %dma_wait3A_338 = arith.constant 0 : i32
      %dma_wait3A_339 = tpu.memref_slice %arg2[%dma_wait3A_338] : memref<16777216xf32, #tpu.memory_space<hbm>> -> memref<16777216xf32, #tpu.memory_space<hbm>>
      tpu.wait_indirect_dma semaphore(%arg10 : memref<!tpu.dma_semaphore, #tpu.memory_space<semaphore_mem>>) src(%dma_wait3A_339 : memref<16777216xf32, #tpu.memory_space<hbm>>) dst(%dma_wait3A_335 : memref<128xf32, #tpu.memory_space<vmem>>)
      %dma_wait3A_340 = arith.constant 896 : i32
      %dma_wait3A_341 = tpu.memref_slice %arg9[%dma_wait3A_340] : memref<2048xf32, #tpu.memory_space<vmem>> -> memref<128xf32, #tpu.memory_space<vmem>>
      %dma_wait3A_342 = arith.constant 896 : i32
      %dma_wait3A_343 = tpu.memref_slice %arg7[%dma_wait3A_342] : memref<2048xi32, #tpu.memory_space<vmem>> -> memref<128xi32, #tpu.memory_space<vmem>>
      %dma_wait3A_344 = arith.constant 0 : i32
      %dma_wait3A_345 = tpu.memref_slice %arg2[%dma_wait3A_344] : memref<16777216xf32, #tpu.memory_space<hbm>> -> memref<16777216xf32, #tpu.memory_space<hbm>>
      tpu.wait_indirect_dma semaphore(%arg10 : memref<!tpu.dma_semaphore, #tpu.memory_space<semaphore_mem>>) src(%dma_wait3A_345 : memref<16777216xf32, #tpu.memory_space<hbm>>) dst(%dma_wait3A_341 : memref<128xf32, #tpu.memory_space<vmem>>)
      %dma_wait3A_346 = arith.constant 1024 : i32
      %dma_wait3A_347 = tpu.memref_slice %arg9[%dma_wait3A_346] : memref<2048xf32, #tpu.memory_space<vmem>> -> memref<128xf32, #tpu.memory_space<vmem>>
      %dma_wait3A_348 = arith.constant 1024 : i32
      %dma_wait3A_349 = tpu.memref_slice %arg7[%dma_wait3A_348] : memref<2048xi32, #tpu.memory_space<vmem>> -> memref<128xi32, #tpu.memory_space<vmem>>
      %dma_wait3A_350 = arith.constant 0 : i32
      %dma_wait3A_351 = tpu.memref_slice %arg2[%dma_wait3A_350] : memref<16777216xf32, #tpu.memory_space<hbm>> -> memref<16777216xf32, #tpu.memory_space<hbm>>
      tpu.wait_indirect_dma semaphore(%arg10 : memref<!tpu.dma_semaphore, #tpu.memory_space<semaphore_mem>>) src(%dma_wait3A_351 : memref<16777216xf32, #tpu.memory_space<hbm>>) dst(%dma_wait3A_347 : memref<128xf32, #tpu.memory_space<vmem>>)
      %dma_wait3A_352 = arith.constant 1152 : i32
      %dma_wait3A_353 = tpu.memref_slice %arg9[%dma_wait3A_352] : memref<2048xf32, #tpu.memory_space<vmem>> -> memref<128xf32, #tpu.memory_space<vmem>>
      %dma_wait3A_354 = arith.constant 1152 : i32
      %dma_wait3A_355 = tpu.memref_slice %arg7[%dma_wait3A_354] : memref<2048xi32, #tpu.memory_space<vmem>> -> memref<128xi32, #tpu.memory_space<vmem>>
      %dma_wait3A_356 = arith.constant 0 : i32
      %dma_wait3A_357 = tpu.memref_slice %arg2[%dma_wait3A_356] : memref<16777216xf32, #tpu.memory_space<hbm>> -> memref<16777216xf32, #tpu.memory_space<hbm>>
      tpu.wait_indirect_dma semaphore(%arg10 : memref<!tpu.dma_semaphore, #tpu.memory_space<semaphore_mem>>) src(%dma_wait3A_357 : memref<16777216xf32, #tpu.memory_space<hbm>>) dst(%dma_wait3A_353 : memref<128xf32, #tpu.memory_space<vmem>>)
      %dma_wait3A_358 = arith.constant 1280 : i32
      %dma_wait3A_359 = tpu.memref_slice %arg9[%dma_wait3A_358] : memref<2048xf32, #tpu.memory_space<vmem>> -> memref<128xf32, #tpu.memory_space<vmem>>
      %dma_wait3A_360 = arith.constant 1280 : i32
      %dma_wait3A_361 = tpu.memref_slice %arg7[%dma_wait3A_360] : memref<2048xi32, #tpu.memory_space<vmem>> -> memref<128xi32, #tpu.memory_space<vmem>>
      %dma_wait3A_362 = arith.constant 0 : i32
      %dma_wait3A_363 = tpu.memref_slice %arg2[%dma_wait3A_362] : memref<16777216xf32, #tpu.memory_space<hbm>> -> memref<16777216xf32, #tpu.memory_space<hbm>>
      tpu.wait_indirect_dma semaphore(%arg10 : memref<!tpu.dma_semaphore, #tpu.memory_space<semaphore_mem>>) src(%dma_wait3A_363 : memref<16777216xf32, #tpu.memory_space<hbm>>) dst(%dma_wait3A_359 : memref<128xf32, #tpu.memory_space<vmem>>)
      %dma_wait3A_364 = arith.constant 1408 : i32
      %dma_wait3A_365 = tpu.memref_slice %arg9[%dma_wait3A_364] : memref<2048xf32, #tpu.memory_space<vmem>> -> memref<128xf32, #tpu.memory_space<vmem>>
      %dma_wait3A_366 = arith.constant 1408 : i32
      %dma_wait3A_367 = tpu.memref_slice %arg7[%dma_wait3A_366] : memref<2048xi32, #tpu.memory_space<vmem>> -> memref<128xi32, #tpu.memory_space<vmem>>
      %dma_wait3A_368 = arith.constant 0 : i32
      %dma_wait3A_369 = tpu.memref_slice %arg2[%dma_wait3A_368] : memref<16777216xf32, #tpu.memory_space<hbm>> -> memref<16777216xf32, #tpu.memory_space<hbm>>
      tpu.wait_indirect_dma semaphore(%arg10 : memref<!tpu.dma_semaphore, #tpu.memory_space<semaphore_mem>>) src(%dma_wait3A_369 : memref<16777216xf32, #tpu.memory_space<hbm>>) dst(%dma_wait3A_365 : memref<128xf32, #tpu.memory_space<vmem>>)
      %dma_wait3A_370 = arith.constant 1536 : i32
      %dma_wait3A_371 = tpu.memref_slice %arg9[%dma_wait3A_370] : memref<2048xf32, #tpu.memory_space<vmem>> -> memref<128xf32, #tpu.memory_space<vmem>>
      %dma_wait3A_372 = arith.constant 1536 : i32
      %dma_wait3A_373 = tpu.memref_slice %arg7[%dma_wait3A_372] : memref<2048xi32, #tpu.memory_space<vmem>> -> memref<128xi32, #tpu.memory_space<vmem>>
      %dma_wait3A_374 = arith.constant 0 : i32
      %dma_wait3A_375 = tpu.memref_slice %arg2[%dma_wait3A_374] : memref<16777216xf32, #tpu.memory_space<hbm>> -> memref<16777216xf32, #tpu.memory_space<hbm>>
      tpu.wait_indirect_dma semaphore(%arg10 : memref<!tpu.dma_semaphore, #tpu.memory_space<semaphore_mem>>) src(%dma_wait3A_375 : memref<16777216xf32, #tpu.memory_space<hbm>>) dst(%dma_wait3A_371 : memref<128xf32, #tpu.memory_space<vmem>>)
      %dma_wait3A_376 = arith.constant 1664 : i32
      %dma_wait3A_377 = tpu.memref_slice %arg9[%dma_wait3A_376] : memref<2048xf32, #tpu.memory_space<vmem>> -> memref<128xf32, #tpu.memory_space<vmem>>
      %dma_wait3A_378 = arith.constant 1664 : i32
      %dma_wait3A_379 = tpu.memref_slice %arg7[%dma_wait3A_378] : memref<2048xi32, #tpu.memory_space<vmem>> -> memref<128xi32, #tpu.memory_space<vmem>>
      %dma_wait3A_380 = arith.constant 0 : i32
      %dma_wait3A_381 = tpu.memref_slice %arg2[%dma_wait3A_380] : memref<16777216xf32, #tpu.memory_space<hbm>> -> memref<16777216xf32, #tpu.memory_space<hbm>>
      tpu.wait_indirect_dma semaphore(%arg10 : memref<!tpu.dma_semaphore, #tpu.memory_space<semaphore_mem>>) src(%dma_wait3A_381 : memref<16777216xf32, #tpu.memory_space<hbm>>) dst(%dma_wait3A_377 : memref<128xf32, #tpu.memory_space<vmem>>)
      %dma_wait3A_382 = arith.constant 1792 : i32
      %dma_wait3A_383 = tpu.memref_slice %arg9[%dma_wait3A_382] : memref<2048xf32, #tpu.memory_space<vmem>> -> memref<128xf32, #tpu.memory_space<vmem>>
      %dma_wait3A_384 = arith.constant 1792 : i32
      %dma_wait3A_385 = tpu.memref_slice %arg7[%dma_wait3A_384] : memref<2048xi32, #tpu.memory_space<vmem>> -> memref<128xi32, #tpu.memory_space<vmem>>
      %dma_wait3A_386 = arith.constant 0 : i32
      %dma_wait3A_387 = tpu.memref_slice %arg2[%dma_wait3A_386] : memref<16777216xf32, #tpu.memory_space<hbm>> -> memref<16777216xf32, #tpu.memory_space<hbm>>
      tpu.wait_indirect_dma semaphore(%arg10 : memref<!tpu.dma_semaphore, #tpu.memory_space<semaphore_mem>>) src(%dma_wait3A_387 : memref<16777216xf32, #tpu.memory_space<hbm>>) dst(%dma_wait3A_383 : memref<128xf32, #tpu.memory_space<vmem>>)
      %dma_wait3A_388 = arith.constant 1920 : i32
      %dma_wait3A_389 = tpu.memref_slice %arg9[%dma_wait3A_388] : memref<2048xf32, #tpu.memory_space<vmem>> -> memref<128xf32, #tpu.memory_space<vmem>>
      %dma_wait3A_390 = arith.constant 1920 : i32
      %dma_wait3A_391 = tpu.memref_slice %arg7[%dma_wait3A_390] : memref<2048xi32, #tpu.memory_space<vmem>> -> memref<128xi32, #tpu.memory_space<vmem>>
      %dma_wait3A_392 = arith.constant 0 : i32
      %dma_wait3A_393 = tpu.memref_slice %arg2[%dma_wait3A_392] : memref<16777216xf32, #tpu.memory_space<hbm>> -> memref<16777216xf32, #tpu.memory_space<hbm>>
      tpu.wait_indirect_dma semaphore(%arg10 : memref<!tpu.dma_semaphore, #tpu.memory_space<semaphore_mem>>) src(%dma_wait3A_393 : memref<16777216xf32, #tpu.memory_space<hbm>>) dst(%dma_wait3A_389 : memref<128xf32, #tpu.memory_space<vmem>>)
      %run_scoped3A = arith.constant 0 : i32
      "tpu.region"() ({
        %run_scoped3A_395 = tpu.sem_alloc : memref<!tpu.dma_semaphore, #tpu.memory_space<semaphore_mem>>
        %dma_start3A_396 = tpu.memref_slice %arg5[%run_scoped3A, %add3A_11] : memref<2x6094848xf32, #tpu.memory_space<hbm>> -> memref<1x2048xf32, #tpu.memory_space<hbm>>
        %dma_start3A_397 = tpu.memref_squeeze %dma_start3A_396 : memref<1x2048xf32, #tpu.memory_space<hbm>> -> memref<2048xf32, #tpu.memory_space<hbm>>
        %dma_start3A_398 = tpu.memref_slice %arg5[%run_scoped3A, %add3A_11] : memref<2x6094848xf32, #tpu.memory_space<hbm>> -> memref<1x2048xf32, #tpu.memory_space<hbm>>
        %dma_start3A_399 = tpu.memref_squeeze %dma_start3A_398 : memref<1x2048xf32, #tpu.memory_space<hbm>> -> memref<2048xf32, #tpu.memory_space<hbm>>
        tpu.enqueue_dma source(%arg8 : memref<2048xf32, #tpu.memory_space<vmem>>) target(%dma_start3A_399 : memref<2048xf32, #tpu.memory_space<hbm>>) target_semaphore(%run_scoped3A_395 : memref<!tpu.dma_semaphore, #tpu.memory_space<semaphore_mem>>)
        %dma_wait3A_400 = tpu.memref_slice %arg5[%run_scoped3A, %add3A_11] : memref<2x6094848xf32, #tpu.memory_space<hbm>> -> memref<1x2048xf32, #tpu.memory_space<hbm>>
        %dma_wait3A_401 = tpu.memref_squeeze %dma_wait3A_400 : memref<1x2048xf32, #tpu.memory_space<hbm>> -> memref<2048xf32, #tpu.memory_space<hbm>>
        %dma_wait3A_402 = tpu.memref_slice %arg5[%run_scoped3A, %add3A_11] : memref<2x6094848xf32, #tpu.memory_space<hbm>> -> memref<1x2048xf32, #tpu.memory_space<hbm>>
        %dma_wait3A_403 = tpu.memref_squeeze %dma_wait3A_402 : memref<1x2048xf32, #tpu.memory_space<hbm>> -> memref<2048xf32, #tpu.memory_space<hbm>>
        tpu.wait_dma2 semaphore(%run_scoped3A_395 : memref<!tpu.dma_semaphore, #tpu.memory_space<semaphore_mem>>) src(%arg8 : memref<2048xf32, #tpu.memory_space<vmem>>) dst(%dma_wait3A_403 : memref<2048xf32, #tpu.memory_space<hbm>>)
        tpu.yield
      }) : () -> ()
      %run_scoped3A_394 = arith.constant 1 : i32
      "tpu.region"() ({
        %run_scoped3A_395 = tpu.sem_alloc : memref<!tpu.dma_semaphore, #tpu.memory_space<semaphore_mem>>
        %dma_start3A_396 = tpu.memref_slice %arg5[%run_scoped3A_394, %add3A_11] : memref<2x6094848xf32, #tpu.memory_space<hbm>> -> memref<1x2048xf32, #tpu.memory_space<hbm>>
        %dma_start3A_397 = tpu.memref_squeeze %dma_start3A_396 : memref<1x2048xf32, #tpu.memory_space<hbm>> -> memref<2048xf32, #tpu.memory_space<hbm>>
        %dma_start3A_398 = tpu.memref_slice %arg5[%run_scoped3A_394, %add3A_11] : memref<2x6094848xf32, #tpu.memory_space<hbm>> -> memref<1x2048xf32, #tpu.memory_space<hbm>>
        %dma_start3A_399 = tpu.memref_squeeze %dma_start3A_398 : memref<1x2048xf32, #tpu.memory_space<hbm>> -> memref<2048xf32, #tpu.memory_space<hbm>>
        tpu.enqueue_dma source(%arg9 : memref<2048xf32, #tpu.memory_space<vmem>>) target(%dma_start3A_399 : memref<2048xf32, #tpu.memory_space<hbm>>) target_semaphore(%run_scoped3A_395 : memref<!tpu.dma_semaphore, #tpu.memory_space<semaphore_mem>>)
        %dma_wait3A_400 = tpu.memref_slice %arg5[%run_scoped3A_394, %add3A_11] : memref<2x6094848xf32, #tpu.memory_space<hbm>> -> memref<1x2048xf32, #tpu.memory_space<hbm>>
        %dma_wait3A_401 = tpu.memref_squeeze %dma_wait3A_400 : memref<1x2048xf32, #tpu.memory_space<hbm>> -> memref<2048xf32, #tpu.memory_space<hbm>>
        %dma_wait3A_402 = tpu.memref_slice %arg5[%run_scoped3A_394, %add3A_11] : memref<2x6094848xf32, #tpu.memory_space<hbm>> -> memref<1x2048xf32, #tpu.memory_space<hbm>>
        %dma_wait3A_403 = tpu.memref_squeeze %dma_wait3A_402 : memref<1x2048xf32, #tpu.memory_space<hbm>> -> memref<2048xf32, #tpu.memory_space<hbm>>
        tpu.wait_dma2 semaphore(%run_scoped3A_395 : memref<!tpu.dma_semaphore, #tpu.memory_space<semaphore_mem>>) src(%arg9 : memref<2048xf32, #tpu.memory_space<vmem>>) dst(%dma_wait3A_403 : memref<2048xf32, #tpu.memory_space<hbm>>)
        tpu.yield
      }) : () -> ()
    }
    %scan3A_7 = arith.constant 93 : i32
    return
  }
}

module attributes {stable_mosaic.version = 14 : i64} {
  func.func @body(%arg0: memref<1024x1482xbf16, #tpu.memory_space<vmem>>, %arg1: memref<1536x1024xbf16, #tpu.memory_space<vmem>>, %arg2: memref<2x1482x1536xbf16, #tpu.memory_space<vmem>>, %arg3: memref<2x1024x1024xbf16, #tpu.memory_space<vmem>>) attributes {dimension_semantics = [], scalar_prefetch = 0 : i64, scratch_operands = 0 : i64, tpu.core_type = #tpu.core_type<tc>} {
    %get3A = arith.constant 0 : index
    %get3A_0 = arith.constant 0 : index
    %get3A_1 = vector.load %arg0[%get3A, %get3A_0] : memref<1024x1482xbf16, #tpu.memory_space<vmem>>, vector<1024x1482xbf16>
    %get3A_2 = arith.constant 0 : index
    %get3A_3 = arith.constant 0 : index
    %get3A_4 = vector.load %arg1[%get3A_2, %get3A_3] : memref<1536x1024xbf16, #tpu.memory_space<vmem>>, vector<1536x1024xbf16>
    %get3A_5 = arith.constant 0 : index
    %get3A_6 = arith.constant 0 : index
    %get3A_7 = arith.constant 0 : index
    %get3A_8 = vector.load %arg2[%get3A_5, %get3A_6, %get3A_7] : memref<2x1482x1536xbf16, #tpu.memory_space<vmem>>, vector<1x1482x1536xbf16>
    %get3A_9 = vector.shape_cast %get3A_8 : vector<1x1482x1536xbf16> to vector<1482x1536xbf16>
    %dot_general3A = arith.constant dense<0.000000e+00> : vector<1482x1024xf32>
    %dot_general3A_10 = tpu.matmul %get3A_9, %get3A_4, %dot_general3A {dimension_numbers = #tpu.dot_dimension_numbers<[1], [0], [0], [1], [0, 0, 1, 1], [], []>, transpose_lhs_hint = false} : vector<1482x1536xbf16>, vector<1536x1024xbf16>, vector<1482x1024xf32> -> vector<1482x1024xf32>
    %convert_element_type3A = arith.truncf %dot_general3A_10 : vector<1482x1024xf32> to vector<1482x1024xbf16>
    %dot_general3A_11 = arith.constant dense<0.000000e+00> : vector<1024x1024xf32>
    %dot_general3A_12 = tpu.matmul %get3A_1, %convert_element_type3A, %dot_general3A_11 {dimension_numbers = #tpu.dot_dimension_numbers<[1], [0], [0], [1], [0, 0, 1, 1], [], []>, transpose_lhs_hint = false} : vector<1024x1482xbf16>, vector<1482x1024xbf16>, vector<1024x1024xf32> -> vector<1024x1024xf32>
    %convert_element_type3A_13 = arith.truncf %dot_general3A_12 : vector<1024x1024xf32> to vector<1024x1024xbf16>
    %swap3A = arith.constant 0 : index
    %swap3A_14 = arith.constant 0 : index
    %swap3A_15 = arith.constant 0 : index
    %swap3A_16 = vector.load %arg3[%swap3A, %swap3A_14, %swap3A_15] : memref<2x1024x1024xbf16, #tpu.memory_space<vmem>>, vector<1x1024x1024xbf16>
    %swap3A_17 = vector.shape_cast %swap3A_16 : vector<1x1024x1024xbf16> to vector<1024x1024xbf16>
    %swap3A_18 = vector.shape_cast %convert_element_type3A_13 : vector<1024x1024xbf16> to vector<1x1024x1024xbf16>
    tpu.vector_store %arg3[%swap3A, %swap3A_14, %swap3A_15], %swap3A_18 {strides = array<i32>} : memref<2x1024x1024xbf16, #tpu.memory_space<vmem>>, vector<1x1024x1024xbf16>,
    %get3A_19 = arith.constant 1 : index
    %get3A_20 = arith.constant 0 : index
    %get3A_21 = arith.constant 0 : index
    %get3A_22 = vector.load %arg2[%get3A_19, %get3A_20, %get3A_21] : memref<2x1482x1536xbf16, #tpu.memory_space<vmem>>, vector<1x1482x1536xbf16>
    %get3A_23 = vector.shape_cast %get3A_22 : vector<1x1482x1536xbf16> to vector<1482x1536xbf16>
    %dot_general3A_24 = arith.constant dense<0.000000e+00> : vector<1482x1024xf32>
    %dot_general3A_25 = tpu.matmul %get3A_23, %get3A_4, %dot_general3A_24 {dimension_numbers = #tpu.dot_dimension_numbers<[1], [0], [0], [1], [0, 0, 1, 1], [], []>, transpose_lhs_hint = false} : vector<1482x1536xbf16>, vector<1536x1024xbf16>, vector<1482x1024xf32> -> vector<1482x1024xf32>
    %convert_element_type3A_26 = arith.truncf %dot_general3A_25 : vector<1482x1024xf32> to vector<1482x1024xbf16>
    %dot_general3A_27 = arith.constant dense<0.000000e+00> : vector<1024x1024xf32>
    %dot_general3A_28 = tpu.matmul %get3A_1, %convert_element_type3A_26, %dot_general3A_27 {dimension_numbers = #tpu.dot_dimension_numbers<[1], [0], [0], [1], [0, 0, 1, 1], [], []>, transpose_lhs_hint = false} : vector<1024x1482xbf16>, vector<1482x1024xbf16>, vector<1024x1024xf32> -> vector<1024x1024xf32>
    %convert_element_type3A_29 = arith.truncf %dot_general3A_28 : vector<1024x1024xf32> to vector<1024x1024xbf16>
    %swap3A_30 = arith.constant 1 : index
    %swap3A_31 = arith.constant 0 : index
    %swap3A_32 = arith.constant 0 : index
    %swap3A_33 = vector.load %arg3[%swap3A_30, %swap3A_31, %swap3A_32] : memref<2x1024x1024xbf16, #tpu.memory_space<vmem>>, vector<1x1024x1024xbf16>
    %swap3A_34 = vector.shape_cast %swap3A_33 : vector<1x1024x1024xbf16> to vector<1024x1024xbf16>
    %swap3A_35 = vector.shape_cast %convert_element_type3A_29 : vector<1024x1024xbf16> to vector<1x1024x1024xbf16>
    tpu.vector_store %arg3[%swap3A_30, %swap3A_31, %swap3A_32], %swap3A_35 {strides = array<i32>} : memref<2x1024x1024xbf16, #tpu.memory_space<vmem>>, vector<1x1024x1024xbf16>,
    return
  }
}

module attributes {stable_mosaic.version = 14 : i64} {
  func.func @body(%arg0: memref<1024x1072xbf16, #tpu.memory_space<vmem>>, %arg1: memref<1152x1024xbf16, #tpu.memory_space<vmem>>, %arg2: memref<2x1072x1152xbf16, #tpu.memory_space<vmem>>, %arg3: memref<2x1024x1024xbf16, #tpu.memory_space<vmem>>) attributes {dimension_semantics = [], scalar_prefetch = 0 : i64, scratch_operands = 0 : i64, tpu.core_type = #tpu.core_type<tc>} {
    %get3A = arith.constant 0 : index
    %get3A_0 = arith.constant 0 : index
    %get3A_1 = vector.load %arg0[%get3A, %get3A_0] : memref<1024x1072xbf16, #tpu.memory_space<vmem>>, vector<1024x1072xbf16>
    %get3A_2 = arith.constant 0 : index
    %get3A_3 = arith.constant 0 : index
    %get3A_4 = vector.load %arg1[%get3A_2, %get3A_3] : memref<1152x1024xbf16, #tpu.memory_space<vmem>>, vector<1152x1024xbf16>
    %get3A_5 = arith.constant 0 : index
    %get3A_6 = arith.constant 0 : index
    %get3A_7 = arith.constant 0 : index
    %get3A_8 = vector.load %arg2[%get3A_5, %get3A_6, %get3A_7] : memref<2x1072x1152xbf16, #tpu.memory_space<vmem>>, vector<1x1072x1152xbf16>
    %get3A_9 = vector.shape_cast %get3A_8 : vector<1x1072x1152xbf16> to vector<1072x1152xbf16>
    %dot_general3A = arith.constant dense<0.000000e+00> : vector<1072x1024xf32>
    %dot_general3A_10 = tpu.matmul %get3A_9, %get3A_4, %dot_general3A {dimension_numbers = #tpu.dot_dimension_numbers<[1], [0], [0], [1], [0, 0, 1, 1], [], []>, transpose_lhs_hint = false} : vector<1072x1152xbf16>, vector<1152x1024xbf16>, vector<1072x1024xf32> -> vector<1072x1024xf32>
    %convert_element_type3A = arith.truncf %dot_general3A_10 : vector<1072x1024xf32> to vector<1072x1024xbf16>
    %dot_general3A_11 = arith.constant dense<0.000000e+00> : vector<1024x1024xf32>
    %dot_general3A_12 = tpu.matmul %get3A_1, %convert_element_type3A, %dot_general3A_11 {dimension_numbers = #tpu.dot_dimension_numbers<[1], [0], [0], [1], [0, 0, 1, 1], [], []>, transpose_lhs_hint = false} : vector<1024x1072xbf16>, vector<1072x1024xbf16>, vector<1024x1024xf32> -> vector<1024x1024xf32>
    %convert_element_type3A_13 = arith.truncf %dot_general3A_12 : vector<1024x1024xf32> to vector<1024x1024xbf16>
    %swap3A = arith.constant 0 : index
    %swap3A_14 = arith.constant 0 : index
    %swap3A_15 = arith.constant 0 : index
    %swap3A_16 = vector.load %arg3[%swap3A, %swap3A_14, %swap3A_15] : memref<2x1024x1024xbf16, #tpu.memory_space<vmem>>, vector<1x1024x1024xbf16>
    %swap3A_17 = vector.shape_cast %swap3A_16 : vector<1x1024x1024xbf16> to vector<1024x1024xbf16>
    %swap3A_18 = vector.shape_cast %convert_element_type3A_13 : vector<1024x1024xbf16> to vector<1x1024x1024xbf16>
    tpu.vector_store %arg3[%swap3A, %swap3A_14, %swap3A_15], %swap3A_18 {strides = array<i32>} : memref<2x1024x1024xbf16, #tpu.memory_space<vmem>>, vector<1x1024x1024xbf16>,
    %get3A_19 = arith.constant 1 : index
    %get3A_20 = arith.constant 0 : index
    %get3A_21 = arith.constant 0 : index
    %get3A_22 = vector.load %arg2[%get3A_19, %get3A_20, %get3A_21] : memref<2x1072x1152xbf16, #tpu.memory_space<vmem>>, vector<1x1072x1152xbf16>
    %get3A_23 = vector.shape_cast %get3A_22 : vector<1x1072x1152xbf16> to vector<1072x1152xbf16>
    %dot_general3A_24 = arith.constant dense<0.000000e+00> : vector<1072x1024xf32>
    %dot_general3A_25 = tpu.matmul %get3A_23, %get3A_4, %dot_general3A_24 {dimension_numbers = #tpu.dot_dimension_numbers<[1], [0], [0], [1], [0, 0, 1, 1], [], []>, transpose_lhs_hint = false} : vector<1072x1152xbf16>, vector<1152x1024xbf16>, vector<1072x1024xf32> -> vector<1072x1024xf32>
    %convert_element_type3A_26 = arith.truncf %dot_general3A_25 : vector<1072x1024xf32> to vector<1072x1024xbf16>
    %dot_general3A_27 = arith.constant dense<0.000000e+00> : vector<1024x1024xf32>
    %dot_general3A_28 = tpu.matmul %get3A_1, %convert_element_type3A_26, %dot_general3A_27 {dimension_numbers = #tpu.dot_dimension_numbers<[1], [0], [0], [1], [0, 0, 1, 1], [], []>, transpose_lhs_hint = false} : vector<1024x1072xbf16>, vector<1072x1024xbf16>, vector<1024x1024xf32> -> vector<1024x1024xf32>
    %convert_element_type3A_29 = arith.truncf %dot_general3A_28 : vector<1024x1024xf32> to vector<1024x1024xbf16>
    %swap3A_30 = arith.constant 1 : index
    %swap3A_31 = arith.constant 0 : index
    %swap3A_32 = arith.constant 0 : index
    %swap3A_33 = vector.load %arg3[%swap3A_30, %swap3A_31, %swap3A_32] : memref<2x1024x1024xbf16, #tpu.memory_space<vmem>>, vector<1x1024x1024xbf16>
    %swap3A_34 = vector.shape_cast %swap3A_33 : vector<1x1024x1024xbf16> to vector<1024x1024xbf16>
    %swap3A_35 = vector.shape_cast %convert_element_type3A_29 : vector<1024x1024xbf16> to vector<1x1024x1024xbf16>
    tpu.vector_store %arg3[%swap3A_30, %swap3A_31, %swap3A_32], %swap3A_35 {strides = array<i32>} : memref<2x1024x1024xbf16, #tpu.memory_space<vmem>>, vector<1x1024x1024xbf16>,
    return
  }
}

module attributes {stable_mosaic.version = 14 : i64} {
  func.func @body(%arg0: memref<1024x777xbf16, #tpu.memory_space<vmem>>, %arg1: memref<896x1024xbf16, #tpu.memory_space<vmem>>, %arg2: memref<2x777x896xbf16, #tpu.memory_space<vmem>>, %arg3: memref<2x1024x1024xbf16, #tpu.memory_space<vmem>>) attributes {dimension_semantics = [], scalar_prefetch = 0 : i64, scratch_operands = 0 : i64, tpu.core_type = #tpu.core_type<tc>} {
    %get3A = arith.constant 0 : index
    %get3A_0 = arith.constant 0 : index
    %get3A_1 = vector.load %arg0[%get3A, %get3A_0] : memref<1024x777xbf16, #tpu.memory_space<vmem>>, vector<1024x777xbf16>
    %get3A_2 = arith.constant 0 : index
    %get3A_3 = arith.constant 0 : index
    %get3A_4 = vector.load %arg1[%get3A_2, %get3A_3] : memref<896x1024xbf16, #tpu.memory_space<vmem>>, vector<896x1024xbf16>
    %get3A_5 = arith.constant 0 : index
    %get3A_6 = arith.constant 0 : index
    %get3A_7 = arith.constant 0 : index
    %get3A_8 = vector.load %arg2[%get3A_5, %get3A_6, %get3A_7] : memref<2x777x896xbf16, #tpu.memory_space<vmem>>, vector<1x777x896xbf16>
    %get3A_9 = vector.shape_cast %get3A_8 : vector<1x777x896xbf16> to vector<777x896xbf16>
    %dot_general3A = arith.constant dense<0.000000e+00> : vector<777x1024xf32>
    %dot_general3A_10 = tpu.matmul %get3A_9, %get3A_4, %dot_general3A {dimension_numbers = #tpu.dot_dimension_numbers<[1], [0], [0], [1], [0, 0, 1, 1], [], []>, transpose_lhs_hint = false} : vector<777x896xbf16>, vector<896x1024xbf16>, vector<777x1024xf32> -> vector<777x1024xf32>
    %convert_element_type3A = arith.truncf %dot_general3A_10 : vector<777x1024xf32> to vector<777x1024xbf16>
    %dot_general3A_11 = arith.constant dense<0.000000e+00> : vector<1024x1024xf32>
    %dot_general3A_12 = tpu.matmul %get3A_1, %convert_element_type3A, %dot_general3A_11 {dimension_numbers = #tpu.dot_dimension_numbers<[1], [0], [0], [1], [0, 0, 1, 1], [], []>, transpose_lhs_hint = false} : vector<1024x777xbf16>, vector<777x1024xbf16>, vector<1024x1024xf32> -> vector<1024x1024xf32>
    %convert_element_type3A_13 = arith.truncf %dot_general3A_12 : vector<1024x1024xf32> to vector<1024x1024xbf16>
    %swap3A = arith.constant 0 : index
    %swap3A_14 = arith.constant 0 : index
    %swap3A_15 = arith.constant 0 : index
    %swap3A_16 = vector.load %arg3[%swap3A, %swap3A_14, %swap3A_15] : memref<2x1024x1024xbf16, #tpu.memory_space<vmem>>, vector<1x1024x1024xbf16>
    %swap3A_17 = vector.shape_cast %swap3A_16 : vector<1x1024x1024xbf16> to vector<1024x1024xbf16>
    %swap3A_18 = vector.shape_cast %convert_element_type3A_13 : vector<1024x1024xbf16> to vector<1x1024x1024xbf16>
    tpu.vector_store %arg3[%swap3A, %swap3A_14, %swap3A_15], %swap3A_18 {strides = array<i32>} : memref<2x1024x1024xbf16, #tpu.memory_space<vmem>>, vector<1x1024x1024xbf16>,
    %get3A_19 = arith.constant 1 : index
    %get3A_20 = arith.constant 0 : index
    %get3A_21 = arith.constant 0 : index
    %get3A_22 = vector.load %arg2[%get3A_19, %get3A_20, %get3A_21] : memref<2x777x896xbf16, #tpu.memory_space<vmem>>, vector<1x777x896xbf16>
    %get3A_23 = vector.shape_cast %get3A_22 : vector<1x777x896xbf16> to vector<777x896xbf16>
    %dot_general3A_24 = arith.constant dense<0.000000e+00> : vector<777x1024xf32>
    %dot_general3A_25 = tpu.matmul %get3A_23, %get3A_4, %dot_general3A_24 {dimension_numbers = #tpu.dot_dimension_numbers<[1], [0], [0], [1], [0, 0, 1, 1], [], []>, transpose_lhs_hint = false} : vector<777x896xbf16>, vector<896x1024xbf16>, vector<777x1024xf32> -> vector<777x1024xf32>
    %convert_element_type3A_26 = arith.truncf %dot_general3A_25 : vector<777x1024xf32> to vector<777x1024xbf16>
    %dot_general3A_27 = arith.constant dense<0.000000e+00> : vector<1024x1024xf32>
    %dot_general3A_28 = tpu.matmul %get3A_1, %convert_element_type3A_26, %dot_general3A_27 {dimension_numbers = #tpu.dot_dimension_numbers<[1], [0], [0], [1], [0, 0, 1, 1], [], []>, transpose_lhs_hint = false} : vector<1024x777xbf16>, vector<777x1024xbf16>, vector<1024x1024xf32> -> vector<1024x1024xf32>
    %convert_element_type3A_29 = arith.truncf %dot_general3A_28 : vector<1024x1024xf32> to vector<1024x1024xbf16>
    %swap3A_30 = arith.constant 1 : index
    %swap3A_31 = arith.constant 0 : index
    %swap3A_32 = arith.constant 0 : index
    %swap3A_33 = vector.load %arg3[%swap3A_30, %swap3A_31, %swap3A_32] : memref<2x1024x1024xbf16, #tpu.memory_space<vmem>>, vector<1x1024x1024xbf16>
    %swap3A_34 = vector.shape_cast %swap3A_33 : vector<1x1024x1024xbf16> to vector<1024x1024xbf16>
    %swap3A_35 = vector.shape_cast %convert_element_type3A_29 : vector<1024x1024xbf16> to vector<1x1024x1024xbf16>
    tpu.vector_store %arg3[%swap3A_30, %swap3A_31, %swap3A_32], %swap3A_35 {strides = array<i32>} : memref<2x1024x1024xbf16, #tpu.memory_space<vmem>>, vector<1x1024x1024xbf16>,
    return
  }
}

module attributes {stable_mosaic.version = 14 : i64} {
  func.func @body(%arg0: memref<1024x562xbf16, #tpu.memory_space<vmem>>, %arg1: memref<640x1024xbf16, #tpu.memory_space<vmem>>, %arg2: memref<2x562x640xbf16, #tpu.memory_space<vmem>>, %arg3: memref<2x1024x1024xbf16, #tpu.memory_space<vmem>>) attributes {dimension_semantics = [], scalar_prefetch = 0 : i64, scratch_operands = 0 : i64, tpu.core_type = #tpu.core_type<tc>} {
    %get3A = arith.constant 0 : index
    %get3A_0 = arith.constant 0 : index
    %get3A_1 = vector.load %arg0[%get3A, %get3A_0] : memref<1024x562xbf16, #tpu.memory_space<vmem>>, vector<1024x562xbf16>
    %get3A_2 = arith.constant 0 : index
    %get3A_3 = arith.constant 0 : index
    %get3A_4 = vector.load %arg1[%get3A_2, %get3A_3] : memref<640x1024xbf16, #tpu.memory_space<vmem>>, vector<640x1024xbf16>
    %get3A_5 = arith.constant 0 : index
    %get3A_6 = arith.constant 0 : index
    %get3A_7 = arith.constant 0 : index
    %get3A_8 = vector.load %arg2[%get3A_5, %get3A_6, %get3A_7] : memref<2x562x640xbf16, #tpu.memory_space<vmem>>, vector<1x562x640xbf16>
    %get3A_9 = vector.shape_cast %get3A_8 : vector<1x562x640xbf16> to vector<562x640xbf16>
    %dot_general3A = arith.constant dense<0.000000e+00> : vector<562x1024xf32>
    %dot_general3A_10 = tpu.matmul %get3A_9, %get3A_4, %dot_general3A {dimension_numbers = #tpu.dot_dimension_numbers<[1], [0], [0], [1], [0, 0, 1, 1], [], []>, transpose_lhs_hint = false} : vector<562x640xbf16>, vector<640x1024xbf16>, vector<562x1024xf32> -> vector<562x1024xf32>
    %convert_element_type3A = arith.truncf %dot_general3A_10 : vector<562x1024xf32> to vector<562x1024xbf16>
    %dot_general3A_11 = arith.constant dense<0.000000e+00> : vector<1024x1024xf32>
    %dot_general3A_12 = tpu.matmul %get3A_1, %convert_element_type3A, %dot_general3A_11 {dimension_numbers = #tpu.dot_dimension_numbers<[1], [0], [0], [1], [0, 0, 1, 1], [], []>, transpose_lhs_hint = false} : vector<1024x562xbf16>, vector<562x1024xbf16>, vector<1024x1024xf32> -> vector<1024x1024xf32>
    %convert_element_type3A_13 = arith.truncf %dot_general3A_12 : vector<1024x1024xf32> to vector<1024x1024xbf16>
    %swap3A = arith.constant 0 : index
    %swap3A_14 = arith.constant 0 : index
    %swap3A_15 = arith.constant 0 : index
    %swap3A_16 = vector.load %arg3[%swap3A, %swap3A_14, %swap3A_15] : memref<2x1024x1024xbf16, #tpu.memory_space<vmem>>, vector<1x1024x1024xbf16>
    %swap3A_17 = vector.shape_cast %swap3A_16 : vector<1x1024x1024xbf16> to vector<1024x1024xbf16>
    %swap3A_18 = vector.shape_cast %convert_element_type3A_13 : vector<1024x1024xbf16> to vector<1x1024x1024xbf16>
    tpu.vector_store %arg3[%swap3A, %swap3A_14, %swap3A_15], %swap3A_18 {strides = array<i32>} : memref<2x1024x1024xbf16, #tpu.memory_space<vmem>>, vector<1x1024x1024xbf16>,
    %get3A_19 = arith.constant 1 : index
    %get3A_20 = arith.constant 0 : index
    %get3A_21 = arith.constant 0 : index
    %get3A_22 = vector.load %arg2[%get3A_19, %get3A_20, %get3A_21] : memref<2x562x640xbf16, #tpu.memory_space<vmem>>, vector<1x562x640xbf16>
    %get3A_23 = vector.shape_cast %get3A_22 : vector<1x562x640xbf16> to vector<562x640xbf16>
    %dot_general3A_24 = arith.constant dense<0.000000e+00> : vector<562x1024xf32>
    %dot_general3A_25 = tpu.matmul %get3A_23, %get3A_4, %dot_general3A_24 {dimension_numbers = #tpu.dot_dimension_numbers<[1], [0], [0], [1], [0, 0, 1, 1], [], []>, transpose_lhs_hint = false} : vector<562x640xbf16>, vector<640x1024xbf16>, vector<562x1024xf32> -> vector<562x1024xf32>
    %convert_element_type3A_26 = arith.truncf %dot_general3A_25 : vector<562x1024xf32> to vector<562x1024xbf16>
    %dot_general3A_27 = arith.constant dense<0.000000e+00> : vector<1024x1024xf32>
    %dot_general3A_28 = tpu.matmul %get3A_1, %convert_element_type3A_26, %dot_general3A_27 {dimension_numbers = #tpu.dot_dimension_numbers<[1], [0], [0], [1], [0, 0, 1, 1], [], []>, transpose_lhs_hint = false} : vector<1024x562xbf16>, vector<562x1024xbf16>, vector<1024x1024xf32> -> vector<1024x1024xf32>
    %convert_element_type3A_29 = arith.truncf %dot_general3A_28 : vector<1024x1024xf32> to vector<1024x1024xbf16>
    %swap3A_30 = arith.constant 1 : index
    %swap3A_31 = arith.constant 0 : index
    %swap3A_32 = arith.constant 0 : index
    %swap3A_33 = vector.load %arg3[%swap3A_30, %swap3A_31, %swap3A_32] : memref<2x1024x1024xbf16, #tpu.memory_space<vmem>>, vector<1x1024x1024xbf16>
    %swap3A_34 = vector.shape_cast %swap3A_33 : vector<1x1024x1024xbf16> to vector<1024x1024xbf16>
    %swap3A_35 = vector.shape_cast %convert_element_type3A_29 : vector<1024x1024xbf16> to vector<1x1024x1024xbf16>
    tpu.vector_store %arg3[%swap3A_30, %swap3A_31, %swap3A_32], %swap3A_35 {strides = array<i32>} : memref<2x1024x1024xbf16, #tpu.memory_space<vmem>>, vector<1x1024x1024xbf16>,
    return
  }
}

module attributes {stable_mosaic.version = 14 : i64} {
  func.func @body(%arg0: memref<1024x407xbf16, #tpu.memory_space<vmem>>, %arg1: memref<512x1024xbf16, #tpu.memory_space<vmem>>, %arg2: memref<2x407x512xbf16, #tpu.memory_space<vmem>>, %arg3: memref<2x1024x1024xbf16, #tpu.memory_space<vmem>>) attributes {dimension_semantics = [], scalar_prefetch = 0 : i64, scratch_operands = 0 : i64, tpu.core_type = #tpu.core_type<tc>} {
    %get3A = arith.constant 0 : index
    %get3A_0 = arith.constant 0 : index
    %get3A_1 = vector.load %arg0[%get3A, %get3A_0] : memref<1024x407xbf16, #tpu.memory_space<vmem>>, vector<1024x407xbf16>
    %get3A_2 = arith.constant 0 : index
    %get3A_3 = arith.constant 0 : index
    %get3A_4 = vector.load %arg1[%get3A_2, %get3A_3] : memref<512x1024xbf16, #tpu.memory_space<vmem>>, vector<512x1024xbf16>
    %get3A_5 = arith.constant 0 : index
    %get3A_6 = arith.constant 0 : index
    %get3A_7 = arith.constant 0 : index
    %get3A_8 = vector.load %arg2[%get3A_5, %get3A_6, %get3A_7] : memref<2x407x512xbf16, #tpu.memory_space<vmem>>, vector<1x407x512xbf16>
    %get3A_9 = vector.shape_cast %get3A_8 : vector<1x407x512xbf16> to vector<407x512xbf16>
    %dot_general3A = arith.constant dense<0.000000e+00> : vector<407x1024xf32>
    %dot_general3A_10 = tpu.matmul %get3A_9, %get3A_4, %dot_general3A {dimension_numbers = #tpu.dot_dimension_numbers<[1], [0], [0], [1], [0, 0, 1, 1], [], []>, transpose_lhs_hint = false} : vector<407x512xbf16>, vector<512x1024xbf16>, vector<407x1024xf32> -> vector<407x1024xf32>
    %convert_element_type3A = arith.truncf %dot_general3A_10 : vector<407x1024xf32> to vector<407x1024xbf16>
    %dot_general3A_11 = arith.constant dense<0.000000e+00> : vector<1024x1024xf32>
    %dot_general3A_12 = tpu.matmul %get3A_1, %convert_element_type3A, %dot_general3A_11 {dimension_numbers = #tpu.dot_dimension_numbers<[1], [0], [0], [1], [0, 0, 1, 1], [], []>, transpose_lhs_hint = false} : vector<1024x407xbf16>, vector<407x1024xbf16>, vector<1024x1024xf32> -> vector<1024x1024xf32>
    %convert_element_type3A_13 = arith.truncf %dot_general3A_12 : vector<1024x1024xf32> to vector<1024x1024xbf16>
    %swap3A = arith.constant 0 : index
    %swap3A_14 = arith.constant 0 : index
    %swap3A_15 = arith.constant 0 : index
    %swap3A_16 = vector.load %arg3[%swap3A, %swap3A_14, %swap3A_15] : memref<2x1024x1024xbf16, #tpu.memory_space<vmem>>, vector<1x1024x1024xbf16>
    %swap3A_17 = vector.shape_cast %swap3A_16 : vector<1x1024x1024xbf16> to vector<1024x1024xbf16>
    %swap3A_18 = vector.shape_cast %convert_element_type3A_13 : vector<1024x1024xbf16> to vector<1x1024x1024xbf16>
    tpu.vector_store %arg3[%swap3A, %swap3A_14, %swap3A_15], %swap3A_18 {strides = array<i32>} : memref<2x1024x1024xbf16, #tpu.memory_space<vmem>>, vector<1x1024x1024xbf16>,
    %get3A_19 = arith.constant 1 : index
    %get3A_20 = arith.constant 0 : index
    %get3A_21 = arith.constant 0 : index
    %get3A_22 = vector.load %arg2[%get3A_19, %get3A_20, %get3A_21] : memref<2x407x512xbf16, #tpu.memory_space<vmem>>, vector<1x407x512xbf16>
    %get3A_23 = vector.shape_cast %get3A_22 : vector<1x407x512xbf16> to vector<407x512xbf16>
    %dot_general3A_24 = arith.constant dense<0.000000e+00> : vector<407x1024xf32>
    %dot_general3A_25 = tpu.matmul %get3A_23, %get3A_4, %dot_general3A_24 {dimension_numbers = #tpu.dot_dimension_numbers<[1], [0], [0], [1], [0, 0, 1, 1], [], []>, transpose_lhs_hint = false} : vector<407x512xbf16>, vector<512x1024xbf16>, vector<407x1024xf32> -> vector<407x1024xf32>
    %convert_element_type3A_26 = arith.truncf %dot_general3A_25 : vector<407x1024xf32> to vector<407x1024xbf16>
    %dot_general3A_27 = arith.constant dense<0.000000e+00> : vector<1024x1024xf32>
    %dot_general3A_28 = tpu.matmul %get3A_1, %convert_element_type3A_26, %dot_general3A_27 {dimension_numbers = #tpu.dot_dimension_numbers<[1], [0], [0], [1], [0, 0, 1, 1], [], []>, transpose_lhs_hint = false} : vector<1024x407xbf16>, vector<407x1024xbf16>, vector<1024x1024xf32> -> vector<1024x1024xf32>
    %convert_element_type3A_29 = arith.truncf %dot_general3A_28 : vector<1024x1024xf32> to vector<1024x1024xbf16>
    %swap3A_30 = arith.constant 1 : index
    %swap3A_31 = arith.constant 0 : index
    %swap3A_32 = arith.constant 0 : index
    %swap3A_33 = vector.load %arg3[%swap3A_30, %swap3A_31, %swap3A_32] : memref<2x1024x1024xbf16, #tpu.memory_space<vmem>>, vector<1x1024x1024xbf16>
    %swap3A_34 = vector.shape_cast %swap3A_33 : vector<1x1024x1024xbf16> to vector<1024x1024xbf16>
    %swap3A_35 = vector.shape_cast %convert_element_type3A_29 : vector<1024x1024xbf16> to vector<1x1024x1024xbf16>
    tpu.vector_store %arg3[%swap3A_30, %swap3A_31, %swap3A_32], %swap3A_35 {strides = array<i32>} : memref<2x1024x1024xbf16, #tpu.memory_space<vmem>>, vector<1x1024x1024xbf16>,
    return
  }
}

module attributes {stable_mosaic.version = 14 : i64} {
  func.func @body(%arg0: memref<1024x295xbf16, #tpu.memory_space<vmem>>, %arg1: memref<384x1024xbf16, #tpu.memory_space<vmem>>, %arg2: memref<2x295x384xbf16, #tpu.memory_space<vmem>>, %arg3: memref<2x1024x1024xbf16, #tpu.memory_space<vmem>>) attributes {dimension_semantics = [], scalar_prefetch = 0 : i64, scratch_operands = 0 : i64, tpu.core_type = #tpu.core_type<tc>} {
    %get3A = arith.constant 0 : index
    %get3A_0 = arith.constant 0 : index
    %get3A_1 = vector.load %arg0[%get3A, %get3A_0] : memref<1024x295xbf16, #tpu.memory_space<vmem>>, vector<1024x295xbf16>
    %get3A_2 = arith.constant 0 : index
    %get3A_3 = arith.constant 0 : index
    %get3A_4 = vector.load %arg1[%get3A_2, %get3A_3] : memref<384x1024xbf16, #tpu.memory_space<vmem>>, vector<384x1024xbf16>
    %get3A_5 = arith.constant 0 : index
    %get3A_6 = arith.constant 0 : index
    %get3A_7 = arith.constant 0 : index
    %get3A_8 = vector.load %arg2[%get3A_5, %get3A_6, %get3A_7] : memref<2x295x384xbf16, #tpu.memory_space<vmem>>, vector<1x295x384xbf16>
    %get3A_9 = vector.shape_cast %get3A_8 : vector<1x295x384xbf16> to vector<295x384xbf16>
    %dot_general3A = arith.constant dense<0.000000e+00> : vector<295x1024xf32>
    %dot_general3A_10 = tpu.matmul %get3A_9, %get3A_4, %dot_general3A {dimension_numbers = #tpu.dot_dimension_numbers<[1], [0], [0], [1], [0, 0, 1, 1], [], []>, transpose_lhs_hint = false} : vector<295x384xbf16>, vector<384x1024xbf16>, vector<295x1024xf32> -> vector<295x1024xf32>
    %convert_element_type3A = arith.truncf %dot_general3A_10 : vector<295x1024xf32> to vector<295x1024xbf16>
    %dot_general3A_11 = arith.constant dense<0.000000e+00> : vector<1024x1024xf32>
    %dot_general3A_12 = tpu.matmul %get3A_1, %convert_element_type3A, %dot_general3A_11 {dimension_numbers = #tpu.dot_dimension_numbers<[1], [0], [0], [1], [0, 0, 1, 1], [], []>, transpose_lhs_hint = false} : vector<1024x295xbf16>, vector<295x1024xbf16>, vector<1024x1024xf32> -> vector<1024x1024xf32>
    %convert_element_type3A_13 = arith.truncf %dot_general3A_12 : vector<1024x1024xf32> to vector<1024x1024xbf16>
    %swap3A = arith.constant 0 : index
    %swap3A_14 = arith.constant 0 : index
    %swap3A_15 = arith.constant 0 : index
    %swap3A_16 = vector.load %arg3[%swap3A, %swap3A_14, %swap3A_15] : memref<2x1024x1024xbf16, #tpu.memory_space<vmem>>, vector<1x1024x1024xbf16>
    %swap3A_17 = vector.shape_cast %swap3A_16 : vector<1x1024x1024xbf16> to vector<1024x1024xbf16>
    %swap3A_18 = vector.shape_cast %convert_element_type3A_13 : vector<1024x1024xbf16> to vector<1x1024x1024xbf16>
    tpu.vector_store %arg3[%swap3A, %swap3A_14, %swap3A_15], %swap3A_18 {strides = array<i32>} : memref<2x1024x1024xbf16, #tpu.memory_space<vmem>>, vector<1x1024x1024xbf16>,
    %get3A_19 = arith.constant 1 : index
    %get3A_20 = arith.constant 0 : index
    %get3A_21 = arith.constant 0 : index
    %get3A_22 = vector.load %arg2[%get3A_19, %get3A_20, %get3A_21] : memref<2x295x384xbf16, #tpu.memory_space<vmem>>, vector<1x295x384xbf16>
    %get3A_23 = vector.shape_cast %get3A_22 : vector<1x295x384xbf16> to vector<295x384xbf16>
    %dot_general3A_24 = arith.constant dense<0.000000e+00> : vector<295x1024xf32>
    %dot_general3A_25 = tpu.matmul %get3A_23, %get3A_4, %dot_general3A_24 {dimension_numbers = #tpu.dot_dimension_numbers<[1], [0], [0], [1], [0, 0, 1, 1], [], []>, transpose_lhs_hint = false} : vector<295x384xbf16>, vector<384x1024xbf16>, vector<295x1024xf32> -> vector<295x1024xf32>
    %convert_element_type3A_26 = arith.truncf %dot_general3A_25 : vector<295x1024xf32> to vector<295x1024xbf16>
    %dot_general3A_27 = arith.constant dense<0.000000e+00> : vector<1024x1024xf32>
    %dot_general3A_28 = tpu.matmul %get3A_1, %convert_element_type3A_26, %dot_general3A_27 {dimension_numbers = #tpu.dot_dimension_numbers<[1], [0], [0], [1], [0, 0, 1, 1], [], []>, transpose_lhs_hint = false} : vector<1024x295xbf16>, vector<295x1024xbf16>, vector<1024x1024xf32> -> vector<1024x1024xf32>
    %convert_element_type3A_29 = arith.truncf %dot_general3A_28 : vector<1024x1024xf32> to vector<1024x1024xbf16>
    %swap3A_30 = arith.constant 1 : index
    %swap3A_31 = arith.constant 0 : index
    %swap3A_32 = arith.constant 0 : index
    %swap3A_33 = vector.load %arg3[%swap3A_30, %swap3A_31, %swap3A_32] : memref<2x1024x1024xbf16, #tpu.memory_space<vmem>>, vector<1x1024x1024xbf16>
    %swap3A_34 = vector.shape_cast %swap3A_33 : vector<1x1024x1024xbf16> to vector<1024x1024xbf16>
    %swap3A_35 = vector.shape_cast %convert_element_type3A_29 : vector<1024x1024xbf16> to vector<1x1024x1024xbf16>
    tpu.vector_store %arg3[%swap3A_30, %swap3A_31, %swap3A_32], %swap3A_35 {strides = array<i32>} : memref<2x1024x1024xbf16, #tpu.memory_space<vmem>>, vector<1x1024x1024xbf16>,
    return
  }
}

module attributes {stable_mosaic.version = 14 : i64} {
  func.func @body(%arg0: memref<1024x213xbf16, #tpu.memory_space<vmem>>, %arg1: memref<256x1024xbf16, #tpu.memory_space<vmem>>, %arg2: memref<2x213x256xbf16, #tpu.memory_space<vmem>>, %arg3: memref<2x1024x1024xbf16, #tpu.memory_space<vmem>>) attributes {dimension_semantics = [], scalar_prefetch = 0 : i64, scratch_operands = 0 : i64, tpu.core_type = #tpu.core_type<tc>} {
    %get3A = arith.constant 0 : index
    %get3A_0 = arith.constant 0 : index
    %get3A_1 = vector.load %arg0[%get3A, %get3A_0] : memref<1024x213xbf16, #tpu.memory_space<vmem>>, vector<1024x213xbf16>
    %get3A_2 = arith.constant 0 : index
    %get3A_3 = arith.constant 0 : index
    %get3A_4 = vector.load %arg1[%get3A_2, %get3A_3] : memref<256x1024xbf16, #tpu.memory_space<vmem>>, vector<256x1024xbf16>
    %get3A_5 = arith.constant 0 : index
    %get3A_6 = arith.constant 0 : index
    %get3A_7 = arith.constant 0 : index
    %get3A_8 = vector.load %arg2[%get3A_5, %get3A_6, %get3A_7] : memref<2x213x256xbf16, #tpu.memory_space<vmem>>, vector<1x213x256xbf16>
    %get3A_9 = vector.shape_cast %get3A_8 : vector<1x213x256xbf16> to vector<213x256xbf16>
    %dot_general3A = arith.constant dense<0.000000e+00> : vector<213x1024xf32>
    %dot_general3A_10 = tpu.matmul %get3A_9, %get3A_4, %dot_general3A {dimension_numbers = #tpu.dot_dimension_numbers<[1], [0], [0], [1], [0, 0, 1, 1], [], []>, transpose_lhs_hint = false} : vector<213x256xbf16>, vector<256x1024xbf16>, vector<213x1024xf32> -> vector<213x1024xf32>
    %convert_element_type3A = arith.truncf %dot_general3A_10 : vector<213x1024xf32> to vector<213x1024xbf16>
    %dot_general3A_11 = arith.constant dense<0.000000e+00> : vector<1024x1024xf32>
    %dot_general3A_12 = tpu.matmul %get3A_1, %convert_element_type3A, %dot_general3A_11 {dimension_numbers = #tpu.dot_dimension_numbers<[1], [0], [0], [1], [0, 0, 1, 1], [], []>, transpose_lhs_hint = false} : vector<1024x213xbf16>, vector<213x1024xbf16>, vector<1024x1024xf32> -> vector<1024x1024xf32>
    %convert_element_type3A_13 = arith.truncf %dot_general3A_12 : vector<1024x1024xf32> to vector<1024x1024xbf16>
    %swap3A = arith.constant 0 : index
    %swap3A_14 = arith.constant 0 : index
    %swap3A_15 = arith.constant 0 : index
    %swap3A_16 = vector.load %arg3[%swap3A, %swap3A_14, %swap3A_15] : memref<2x1024x1024xbf16, #tpu.memory_space<vmem>>, vector<1x1024x1024xbf16>
    %swap3A_17 = vector.shape_cast %swap3A_16 : vector<1x1024x1024xbf16> to vector<1024x1024xbf16>
    %swap3A_18 = vector.shape_cast %convert_element_type3A_13 : vector<1024x1024xbf16> to vector<1x1024x1024xbf16>
    tpu.vector_store %arg3[%swap3A, %swap3A_14, %swap3A_15], %swap3A_18 {strides = array<i32>} : memref<2x1024x1024xbf16, #tpu.memory_space<vmem>>, vector<1x1024x1024xbf16>,
    %get3A_19 = arith.constant 1 : index
    %get3A_20 = arith.constant 0 : index
    %get3A_21 = arith.constant 0 : index
    %get3A_22 = vector.load %arg2[%get3A_19, %get3A_20, %get3A_21] : memref<2x213x256xbf16, #tpu.memory_space<vmem>>, vector<1x213x256xbf16>
    %get3A_23 = vector.shape_cast %get3A_22 : vector<1x213x256xbf16> to vector<213x256xbf16>
    %dot_general3A_24 = arith.constant dense<0.000000e+00> : vector<213x1024xf32>
    %dot_general3A_25 = tpu.matmul %get3A_23, %get3A_4, %dot_general3A_24 {dimension_numbers = #tpu.dot_dimension_numbers<[1], [0], [0], [1], [0, 0, 1, 1], [], []>, transpose_lhs_hint = false} : vector<213x256xbf16>, vector<256x1024xbf16>, vector<213x1024xf32> -> vector<213x1024xf32>
    %convert_element_type3A_26 = arith.truncf %dot_general3A_25 : vector<213x1024xf32> to vector<213x1024xbf16>
    %dot_general3A_27 = arith.constant dense<0.000000e+00> : vector<1024x1024xf32>
    %dot_general3A_28 = tpu.matmul %get3A_1, %convert_element_type3A_26, %dot_general3A_27 {dimension_numbers = #tpu.dot_dimension_numbers<[1], [0], [0], [1], [0, 0, 1, 1], [], []>, transpose_lhs_hint = false} : vector<1024x213xbf16>, vector<213x1024xbf16>, vector<1024x1024xf32> -> vector<1024x1024xf32>
    %convert_element_type3A_29 = arith.truncf %dot_general3A_28 : vector<1024x1024xf32> to vector<1024x1024xbf16>
    %swap3A_30 = arith.constant 1 : index
    %swap3A_31 = arith.constant 0 : index
    %swap3A_32 = arith.constant 0 : index
    %swap3A_33 = vector.load %arg3[%swap3A_30, %swap3A_31, %swap3A_32] : memref<2x1024x1024xbf16, #tpu.memory_space<vmem>>, vector<1x1024x1024xbf16>
    %swap3A_34 = vector.shape_cast %swap3A_33 : vector<1x1024x1024xbf16> to vector<1024x1024xbf16>
    %swap3A_35 = vector.shape_cast %convert_element_type3A_29 : vector<1024x1024xbf16> to vector<1x1024x1024xbf16>
    tpu.vector_store %arg3[%swap3A_30, %swap3A_31, %swap3A_32], %swap3A_35 {strides = array<i32>} : memref<2x1024x1024xbf16, #tpu.memory_space<vmem>>, vector<1x1024x1024xbf16>,
    return
  }
}

module attributes {stable_mosaic.version = 14 : i64} {
  func.func @body(%arg0: memref<1024x154xbf16, #tpu.memory_space<vmem>>, %arg1: memref<256x1024xbf16, #tpu.memory_space<vmem>>, %arg2: memref<2x154x256xbf16, #tpu.memory_space<vmem>>, %arg3: memref<2x1024x1024xbf16, #tpu.memory_space<vmem>>) attributes {dimension_semantics = [], scalar_prefetch = 0 : i64, scratch_operands = 0 : i64, tpu.core_type = #tpu.core_type<tc>} {
    %get3A = arith.constant 0 : index
    %get3A_0 = arith.constant 0 : index
    %get3A_1 = vector.load %arg0[%get3A, %get3A_0] : memref<1024x154xbf16, #tpu.memory_space<vmem>>, vector<1024x154xbf16>
    %get3A_2 = arith.constant 0 : index
    %get3A_3 = arith.constant 0 : index
    %get3A_4 = vector.load %arg1[%get3A_2, %get3A_3] : memref<256x1024xbf16, #tpu.memory_space<vmem>>, vector<256x1024xbf16>
    %get3A_5 = arith.constant 0 : index
    %get3A_6 = arith.constant 0 : index
    %get3A_7 = arith.constant 0 : index
    %get3A_8 = vector.load %arg2[%get3A_5, %get3A_6, %get3A_7] : memref<2x154x256xbf16, #tpu.memory_space<vmem>>, vector<1x154x256xbf16>
    %get3A_9 = vector.shape_cast %get3A_8 : vector<1x154x256xbf16> to vector<154x256xbf16>
    %dot_general3A = arith.constant dense<0.000000e+00> : vector<154x1024xf32>
    %dot_general3A_10 = tpu.matmul %get3A_9, %get3A_4, %dot_general3A {dimension_numbers = #tpu.dot_dimension_numbers<[1], [0], [0], [1], [0, 0, 1, 1], [], []>, transpose_lhs_hint = false} : vector<154x256xbf16>, vector<256x1024xbf16>, vector<154x1024xf32> -> vector<154x1024xf32>
    %convert_element_type3A = arith.truncf %dot_general3A_10 : vector<154x1024xf32> to vector<154x1024xbf16>
    %dot_general3A_11 = arith.constant dense<0.000000e+00> : vector<1024x1024xf32>
    %dot_general3A_12 = tpu.matmul %get3A_1, %convert_element_type3A, %dot_general3A_11 {dimension_numbers = #tpu.dot_dimension_numbers<[1], [0], [0], [1], [0, 0, 1, 1], [], []>, transpose_lhs_hint = false} : vector<1024x154xbf16>, vector<154x1024xbf16>, vector<1024x1024xf32> -> vector<1024x1024xf32>
    %convert_element_type3A_13 = arith.truncf %dot_general3A_12 : vector<1024x1024xf32> to vector<1024x1024xbf16>
    %swap3A = arith.constant 0 : index
    %swap3A_14 = arith.constant 0 : index
    %swap3A_15 = arith.constant 0 : index
    %swap3A_16 = vector.load %arg3[%swap3A, %swap3A_14, %swap3A_15] : memref<2x1024x1024xbf16, #tpu.memory_space<vmem>>, vector<1x1024x1024xbf16>
    %swap3A_17 = vector.shape_cast %swap3A_16 : vector<1x1024x1024xbf16> to vector<1024x1024xbf16>
    %swap3A_18 = vector.shape_cast %convert_element_type3A_13 : vector<1024x1024xbf16> to vector<1x1024x1024xbf16>
    tpu.vector_store %arg3[%swap3A, %swap3A_14, %swap3A_15], %swap3A_18 {strides = array<i32>} : memref<2x1024x1024xbf16, #tpu.memory_space<vmem>>, vector<1x1024x1024xbf16>,
    %get3A_19 = arith.constant 1 : index
    %get3A_20 = arith.constant 0 : index
    %get3A_21 = arith.constant 0 : index
    %get3A_22 = vector.load %arg2[%get3A_19, %get3A_20, %get3A_21] : memref<2x154x256xbf16, #tpu.memory_space<vmem>>, vector<1x154x256xbf16>
    %get3A_23 = vector.shape_cast %get3A_22 : vector<1x154x256xbf16> to vector<154x256xbf16>
    %dot_general3A_24 = arith.constant dense<0.000000e+00> : vector<154x1024xf32>
    %dot_general3A_25 = tpu.matmul %get3A_23, %get3A_4, %dot_general3A_24 {dimension_numbers = #tpu.dot_dimension_numbers<[1], [0], [0], [1], [0, 0, 1, 1], [], []>, transpose_lhs_hint = false} : vector<154x256xbf16>, vector<256x1024xbf16>, vector<154x1024xf32> -> vector<154x1024xf32>
    %convert_element_type3A_26 = arith.truncf %dot_general3A_25 : vector<154x1024xf32> to vector<154x1024xbf16>
    %dot_general3A_27 = arith.constant dense<0.000000e+00> : vector<1024x1024xf32>
    %dot_general3A_28 = tpu.matmul %get3A_1, %convert_element_type3A_26, %dot_general3A_27 {dimension_numbers = #tpu.dot_dimension_numbers<[1], [0], [0], [1], [0, 0, 1, 1], [], []>, transpose_lhs_hint = false} : vector<1024x154xbf16>, vector<154x1024xbf16>, vector<1024x1024xf32> -> vector<1024x1024xf32>
    %convert_element_type3A_29 = arith.truncf %dot_general3A_28 : vector<1024x1024xf32> to vector<1024x1024xbf16>
    %swap3A_30 = arith.constant 1 : index
    %swap3A_31 = arith.constant 0 : index
    %swap3A_32 = arith.constant 0 : index
    %swap3A_33 = vector.load %arg3[%swap3A_30, %swap3A_31, %swap3A_32] : memref<2x1024x1024xbf16, #tpu.memory_space<vmem>>, vector<1x1024x1024xbf16>
    %swap3A_34 = vector.shape_cast %swap3A_33 : vector<1x1024x1024xbf16> to vector<1024x1024xbf16>
    %swap3A_35 = vector.shape_cast %convert_element_type3A_29 : vector<1024x1024xbf16> to vector<1x1024x1024xbf16>
    tpu.vector_store %arg3[%swap3A_30, %swap3A_31, %swap3A_32], %swap3A_35 {strides = array<i32>} : memref<2x1024x1024xbf16, #tpu.memory_space<vmem>>, vector<1x1024x1024xbf16>,
    return
  }
}

module attributes {stable_mosaic.version = 14 : i64} {
  func.func @body(%arg0: memref<1024x112xbf16, #tpu.memory_space<vmem>>, %arg1: memref<128x1024xbf16, #tpu.memory_space<vmem>>, %arg2: memref<2x112x128xbf16, #tpu.memory_space<vmem>>, %arg3: memref<2x1024x1024xbf16, #tpu.memory_space<vmem>>) attributes {dimension_semantics = [], scalar_prefetch = 0 : i64, scratch_operands = 0 : i64, tpu.core_type = #tpu.core_type<tc>} {
    %get3A = arith.constant 0 : index
    %get3A_0 = arith.constant 0 : index
    %get3A_1 = vector.load %arg0[%get3A, %get3A_0] : memref<1024x112xbf16, #tpu.memory_space<vmem>>, vector<1024x112xbf16>
    %get3A_2 = arith.constant 0 : index
    %get3A_3 = arith.constant 0 : index
    %get3A_4 = vector.load %arg1[%get3A_2, %get3A_3] : memref<128x1024xbf16, #tpu.memory_space<vmem>>, vector<128x1024xbf16>
    %get3A_5 = arith.constant 0 : index
    %get3A_6 = arith.constant 0 : index
    %get3A_7 = arith.constant 0 : index
    %get3A_8 = vector.load %arg2[%get3A_5, %get3A_6, %get3A_7] : memref<2x112x128xbf16, #tpu.memory_space<vmem>>, vector<1x112x128xbf16>
    %get3A_9 = vector.shape_cast %get3A_8 : vector<1x112x128xbf16> to vector<112x128xbf16>
    %dot_general3A = arith.constant dense<0.000000e+00> : vector<112x1024xf32>
    %dot_general3A_10 = tpu.matmul %get3A_9, %get3A_4, %dot_general3A {dimension_numbers = #tpu.dot_dimension_numbers<[1], [0], [0], [1], [0, 0, 1, 1], [], []>, transpose_lhs_hint = false} : vector<112x128xbf16>, vector<128x1024xbf16>, vector<112x1024xf32> -> vector<112x1024xf32>
    %convert_element_type3A = arith.truncf %dot_general3A_10 : vector<112x1024xf32> to vector<112x1024xbf16>
    %dot_general3A_11 = arith.constant dense<0.000000e+00> : vector<1024x1024xf32>
    %dot_general3A_12 = tpu.matmul %get3A_1, %convert_element_type3A, %dot_general3A_11 {dimension_numbers = #tpu.dot_dimension_numbers<[1], [0], [0], [1], [0, 0, 1, 1], [], []>, transpose_lhs_hint = false} : vector<1024x112xbf16>, vector<112x1024xbf16>, vector<1024x1024xf32> -> vector<1024x1024xf32>
    %convert_element_type3A_13 = arith.truncf %dot_general3A_12 : vector<1024x1024xf32> to vector<1024x1024xbf16>
    %swap3A = arith.constant 0 : index
    %swap3A_14 = arith.constant 0 : index
    %swap3A_15 = arith.constant 0 : index
    %swap3A_16 = vector.load %arg3[%swap3A, %swap3A_14, %swap3A_15] : memref<2x1024x1024xbf16, #tpu.memory_space<vmem>>, vector<1x1024x1024xbf16>
    %swap3A_17 = vector.shape_cast %swap3A_16 : vector<1x1024x1024xbf16> to vector<1024x1024xbf16>
    %swap3A_18 = vector.shape_cast %convert_element_type3A_13 : vector<1024x1024xbf16> to vector<1x1024x1024xbf16>
    tpu.vector_store %arg3[%swap3A, %swap3A_14, %swap3A_15], %swap3A_18 {strides = array<i32>} : memref<2x1024x1024xbf16, #tpu.memory_space<vmem>>, vector<1x1024x1024xbf16>,
    %get3A_19 = arith.constant 1 : index
    %get3A_20 = arith.constant 0 : index
    %get3A_21 = arith.constant 0 : index
    %get3A_22 = vector.load %arg2[%get3A_19, %get3A_20, %get3A_21] : memref<2x112x128xbf16, #tpu.memory_space<vmem>>, vector<1x112x128xbf16>
    %get3A_23 = vector.shape_cast %get3A_22 : vector<1x112x128xbf16> to vector<112x128xbf16>
    %dot_general3A_24 = arith.constant dense<0.000000e+00> : vector<112x1024xf32>
    %dot_general3A_25 = tpu.matmul %get3A_23, %get3A_4, %dot_general3A_24 {dimension_numbers = #tpu.dot_dimension_numbers<[1], [0], [0], [1], [0, 0, 1, 1], [], []>, transpose_lhs_hint = false} : vector<112x128xbf16>, vector<128x1024xbf16>, vector<112x1024xf32> -> vector<112x1024xf32>
    %convert_element_type3A_26 = arith.truncf %dot_general3A_25 : vector<112x1024xf32> to vector<112x1024xbf16>
    %dot_general3A_27 = arith.constant dense<0.000000e+00> : vector<1024x1024xf32>
    %dot_general3A_28 = tpu.matmul %get3A_1, %convert_element_type3A_26, %dot_general3A_27 {dimension_numbers = #tpu.dot_dimension_numbers<[1], [0], [0], [1], [0, 0, 1, 1], [], []>, transpose_lhs_hint = false} : vector<1024x112xbf16>, vector<112x1024xbf16>, vector<1024x1024xf32> -> vector<1024x1024xf32>
    %convert_element_type3A_29 = arith.truncf %dot_general3A_28 : vector<1024x1024xf32> to vector<1024x1024xbf16>
    %swap3A_30 = arith.constant 1 : index
    %swap3A_31 = arith.constant 0 : index
    %swap3A_32 = arith.constant 0 : index
    %swap3A_33 = vector.load %arg3[%swap3A_30, %swap3A_31, %swap3A_32] : memref<2x1024x1024xbf16, #tpu.memory_space<vmem>>, vector<1x1024x1024xbf16>
    %swap3A_34 = vector.shape_cast %swap3A_33 : vector<1x1024x1024xbf16> to vector<1024x1024xbf16>
    %swap3A_35 = vector.shape_cast %convert_element_type3A_29 : vector<1024x1024xbf16> to vector<1x1024x1024xbf16>
    tpu.vector_store %arg3[%swap3A_30, %swap3A_31, %swap3A_32], %swap3A_35 {strides = array<i32>} : memref<2x1024x1024xbf16, #tpu.memory_space<vmem>>, vector<1x1024x1024xbf16>,
    return
  }
}

module attributes {stable_mosaic.version = 14 : i64} {
  func.func @body(%arg0: memref<1024x81xbf16, #tpu.memory_space<vmem>>, %arg1: memref<128x1024xbf16, #tpu.memory_space<vmem>>, %arg2: memref<2x81x128xbf16, #tpu.memory_space<vmem>>, %arg3: memref<2x1024x1024xbf16, #tpu.memory_space<vmem>>) attributes {dimension_semantics = [], scalar_prefetch = 0 : i64, scratch_operands = 0 : i64, tpu.core_type = #tpu.core_type<tc>} {
    %get3A = arith.constant 0 : index
    %get3A_0 = arith.constant 0 : index
    %get3A_1 = vector.load %arg0[%get3A, %get3A_0] : memref<1024x81xbf16, #tpu.memory_space<vmem>>, vector<1024x81xbf16>
    %get3A_2 = arith.constant 0 : index
    %get3A_3 = arith.constant 0 : index
    %get3A_4 = vector.load %arg1[%get3A_2, %get3A_3] : memref<128x1024xbf16, #tpu.memory_space<vmem>>, vector<128x1024xbf16>
    %get3A_5 = arith.constant 0 : index
    %get3A_6 = arith.constant 0 : index
    %get3A_7 = arith.constant 0 : index
    %get3A_8 = vector.load %arg2[%get3A_5, %get3A_6, %get3A_7] : memref<2x81x128xbf16, #tpu.memory_space<vmem>>, vector<1x81x128xbf16>
    %get3A_9 = vector.shape_cast %get3A_8 : vector<1x81x128xbf16> to vector<81x128xbf16>
    %dot_general3A = arith.constant dense<0.000000e+00> : vector<81x1024xf32>
    %dot_general3A_10 = tpu.matmul %get3A_9, %get3A_4, %dot_general3A {dimension_numbers = #tpu.dot_dimension_numbers<[1], [0], [0], [1], [0, 0, 1, 1], [], []>, transpose_lhs_hint = false} : vector<81x128xbf16>, vector<128x1024xbf16>, vector<81x1024xf32> -> vector<81x1024xf32>
    %convert_element_type3A = arith.truncf %dot_general3A_10 : vector<81x1024xf32> to vector<81x1024xbf16>
    %dot_general3A_11 = arith.constant dense<0.000000e+00> : vector<1024x1024xf32>
    %dot_general3A_12 = tpu.matmul %get3A_1, %convert_element_type3A, %dot_general3A_11 {dimension_numbers = #tpu.dot_dimension_numbers<[1], [0], [0], [1], [0, 0, 1, 1], [], []>, transpose_lhs_hint = false} : vector<1024x81xbf16>, vector<81x1024xbf16>, vector<1024x1024xf32> -> vector<1024x1024xf32>
    %convert_element_type3A_13 = arith.truncf %dot_general3A_12 : vector<1024x1024xf32> to vector<1024x1024xbf16>
    %swap3A = arith.constant 0 : index
    %swap3A_14 = arith.constant 0 : index
    %swap3A_15 = arith.constant 0 : index
    %swap3A_16 = vector.load %arg3[%swap3A, %swap3A_14, %swap3A_15] : memref<2x1024x1024xbf16, #tpu.memory_space<vmem>>, vector<1x1024x1024xbf16>
    %swap3A_17 = vector.shape_cast %swap3A_16 : vector<1x1024x1024xbf16> to vector<1024x1024xbf16>
    %swap3A_18 = vector.shape_cast %convert_element_type3A_13 : vector<1024x1024xbf16> to vector<1x1024x1024xbf16>
    tpu.vector_store %arg3[%swap3A, %swap3A_14, %swap3A_15], %swap3A_18 {strides = array<i32>} : memref<2x1024x1024xbf16, #tpu.memory_space<vmem>>, vector<1x1024x1024xbf16>,
    %get3A_19 = arith.constant 1 : index
    %get3A_20 = arith.constant 0 : index
    %get3A_21 = arith.constant 0 : index
    %get3A_22 = vector.load %arg2[%get3A_19, %get3A_20, %get3A_21] : memref<2x81x128xbf16, #tpu.memory_space<vmem>>, vector<1x81x128xbf16>
    %get3A_23 = vector.shape_cast %get3A_22 : vector<1x81x128xbf16> to vector<81x128xbf16>
    %dot_general3A_24 = arith.constant dense<0.000000e+00> : vector<81x1024xf32>
    %dot_general3A_25 = tpu.matmul %get3A_23, %get3A_4, %dot_general3A_24 {dimension_numbers = #tpu.dot_dimension_numbers<[1], [0], [0], [1], [0, 0, 1, 1], [], []>, transpose_lhs_hint = false} : vector<81x128xbf16>, vector<128x1024xbf16>, vector<81x1024xf32> -> vector<81x1024xf32>
    %convert_element_type3A_26 = arith.truncf %dot_general3A_25 : vector<81x1024xf32> to vector<81x1024xbf16>
    %dot_general3A_27 = arith.constant dense<0.000000e+00> : vector<1024x1024xf32>
    %dot_general3A_28 = tpu.matmul %get3A_1, %convert_element_type3A_26, %dot_general3A_27 {dimension_numbers = #tpu.dot_dimension_numbers<[1], [0], [0], [1], [0, 0, 1, 1], [], []>, transpose_lhs_hint = false} : vector<1024x81xbf16>, vector<81x1024xbf16>, vector<1024x1024xf32> -> vector<1024x1024xf32>
    %convert_element_type3A_29 = arith.truncf %dot_general3A_28 : vector<1024x1024xf32> to vector<1024x1024xbf16>
    %swap3A_30 = arith.constant 1 : index
    %swap3A_31 = arith.constant 0 : index
    %swap3A_32 = arith.constant 0 : index
    %swap3A_33 = vector.load %arg3[%swap3A_30, %swap3A_31, %swap3A_32] : memref<2x1024x1024xbf16, #tpu.memory_space<vmem>>, vector<1x1024x1024xbf16>
    %swap3A_34 = vector.shape_cast %swap3A_33 : vector<1x1024x1024xbf16> to vector<1024x1024xbf16>
    %swap3A_35 = vector.shape_cast %convert_element_type3A_29 : vector<1024x1024xbf16> to vector<1x1024x1024xbf16>
    tpu.vector_store %arg3[%swap3A_30, %swap3A_31, %swap3A_32], %swap3A_35 {strides = array<i32>} : memref<2x1024x1024xbf16, #tpu.memory_space<vmem>>, vector<1x1024x1024xbf16>,
    return
  }
}

module attributes {stable_mosaic.version = 14 : i64} {
  func.func @body(%arg0: memref<1024x59xbf16, #tpu.memory_space<vmem>>, %arg1: memref<128x1024xbf16, #tpu.memory_space<vmem>>, %arg2: memref<2x59x128xbf16, #tpu.memory_space<vmem>>, %arg3: memref<2x1024x1024xbf16, #tpu.memory_space<vmem>>) attributes {dimension_semantics = [], scalar_prefetch = 0 : i64, scratch_operands = 0 : i64, tpu.core_type = #tpu.core_type<tc>} {
    %get3A = arith.constant 0 : index
    %get3A_0 = arith.constant 0 : index
    %get3A_1 = vector.load %arg0[%get3A, %get3A_0] : memref<1024x59xbf16, #tpu.memory_space<vmem>>, vector<1024x59xbf16>
    %get3A_2 = arith.constant 0 : index
    %get3A_3 = arith.constant 0 : index
    %get3A_4 = vector.load %arg1[%get3A_2, %get3A_3] : memref<128x1024xbf16, #tpu.memory_space<vmem>>, vector<128x1024xbf16>
    %get3A_5 = arith.constant 0 : index
    %get3A_6 = arith.constant 0 : index
    %get3A_7 = arith.constant 0 : index
    %get3A_8 = vector.load %arg2[%get3A_5, %get3A_6, %get3A_7] : memref<2x59x128xbf16, #tpu.memory_space<vmem>>, vector<1x59x128xbf16>
    %get3A_9 = vector.shape_cast %get3A_8 : vector<1x59x128xbf16> to vector<59x128xbf16>
    %dot_general3A = arith.constant dense<0.000000e+00> : vector<59x1024xf32>
    %dot_general3A_10 = tpu.matmul %get3A_9, %get3A_4, %dot_general3A {dimension_numbers = #tpu.dot_dimension_numbers<[1], [0], [0], [1], [0, 0, 1, 1], [], []>, transpose_lhs_hint = false} : vector<59x128xbf16>, vector<128x1024xbf16>, vector<59x1024xf32> -> vector<59x1024xf32>
    %convert_element_type3A = arith.truncf %dot_general3A_10 : vector<59x1024xf32> to vector<59x1024xbf16>
    %dot_general3A_11 = arith.constant dense<0.000000e+00> : vector<1024x1024xf32>
    %dot_general3A_12 = tpu.matmul %get3A_1, %convert_element_type3A, %dot_general3A_11 {dimension_numbers = #tpu.dot_dimension_numbers<[1], [0], [0], [1], [0, 0, 1, 1], [], []>, transpose_lhs_hint = false} : vector<1024x59xbf16>, vector<59x1024xbf16>, vector<1024x1024xf32> -> vector<1024x1024xf32>
    %convert_element_type3A_13 = arith.truncf %dot_general3A_12 : vector<1024x1024xf32> to vector<1024x1024xbf16>
    %swap3A = arith.constant 0 : index
    %swap3A_14 = arith.constant 0 : index
    %swap3A_15 = arith.constant 0 : index
    %swap3A_16 = vector.load %arg3[%swap3A, %swap3A_14, %swap3A_15] : memref<2x1024x1024xbf16, #tpu.memory_space<vmem>>, vector<1x1024x1024xbf16>
    %swap3A_17 = vector.shape_cast %swap3A_16 : vector<1x1024x1024xbf16> to vector<1024x1024xbf16>
    %swap3A_18 = vector.shape_cast %convert_element_type3A_13 : vector<1024x1024xbf16> to vector<1x1024x1024xbf16>
    tpu.vector_store %arg3[%swap3A, %swap3A_14, %swap3A_15], %swap3A_18 {strides = array<i32>} : memref<2x1024x1024xbf16, #tpu.memory_space<vmem>>, vector<1x1024x1024xbf16>,
    %get3A_19 = arith.constant 1 : index
    %get3A_20 = arith.constant 0 : index
    %get3A_21 = arith.constant 0 : index
    %get3A_22 = vector.load %arg2[%get3A_19, %get3A_20, %get3A_21] : memref<2x59x128xbf16, #tpu.memory_space<vmem>>, vector<1x59x128xbf16>
    %get3A_23 = vector.shape_cast %get3A_22 : vector<1x59x128xbf16> to vector<59x128xbf16>
    %dot_general3A_24 = arith.constant dense<0.000000e+00> : vector<59x1024xf32>
    %dot_general3A_25 = tpu.matmul %get3A_23, %get3A_4, %dot_general3A_24 {dimension_numbers = #tpu.dot_dimension_numbers<[1], [0], [0], [1], [0, 0, 1, 1], [], []>, transpose_lhs_hint = false} : vector<59x128xbf16>, vector<128x1024xbf16>, vector<59x1024xf32> -> vector<59x1024xf32>
    %convert_element_type3A_26 = arith.truncf %dot_general3A_25 : vector<59x1024xf32> to vector<59x1024xbf16>
    %dot_general3A_27 = arith.constant dense<0.000000e+00> : vector<1024x1024xf32>
    %dot_general3A_28 = tpu.matmul %get3A_1, %convert_element_type3A_26, %dot_general3A_27 {dimension_numbers = #tpu.dot_dimension_numbers<[1], [0], [0], [1], [0, 0, 1, 1], [], []>, transpose_lhs_hint = false} : vector<1024x59xbf16>, vector<59x1024xbf16>, vector<1024x1024xf32> -> vector<1024x1024xf32>
    %convert_element_type3A_29 = arith.truncf %dot_general3A_28 : vector<1024x1024xf32> to vector<1024x1024xbf16>
    %swap3A_30 = arith.constant 1 : index
    %swap3A_31 = arith.constant 0 : index
    %swap3A_32 = arith.constant 0 : index
    %swap3A_33 = vector.load %arg3[%swap3A_30, %swap3A_31, %swap3A_32] : memref<2x1024x1024xbf16, #tpu.memory_space<vmem>>, vector<1x1024x1024xbf16>
    %swap3A_34 = vector.shape_cast %swap3A_33 : vector<1x1024x1024xbf16> to vector<1024x1024xbf16>
    %swap3A_35 = vector.shape_cast %convert_element_type3A_29 : vector<1024x1024xbf16> to vector<1x1024x1024xbf16>
    tpu.vector_store %arg3[%swap3A_30, %swap3A_31, %swap3A_32], %swap3A_35 {strides = array<i32>} : memref<2x1024x1024xbf16, #tpu.memory_space<vmem>>, vector<1x1024x1024xbf16>,
    return
  }
}

module attributes {stable_mosaic.version = 14 : i64} {
  func.func @body(%arg0: memref<1024x43xbf16, #tpu.memory_space<vmem>>, %arg1: memref<128x1024xbf16, #tpu.memory_space<vmem>>, %arg2: memref<2x43x128xbf16, #tpu.memory_space<vmem>>, %arg3: memref<2x1024x1024xbf16, #tpu.memory_space<vmem>>) attributes {dimension_semantics = [], scalar_prefetch = 0 : i64, scratch_operands = 0 : i64, tpu.core_type = #tpu.core_type<tc>} {
    %get3A = arith.constant 0 : index
    %get3A_0 = arith.constant 0 : index
    %get3A_1 = vector.load %arg0[%get3A, %get3A_0] : memref<1024x43xbf16, #tpu.memory_space<vmem>>, vector<1024x43xbf16>
    %get3A_2 = arith.constant 0 : index
    %get3A_3 = arith.constant 0 : index
    %get3A_4 = vector.load %arg1[%get3A_2, %get3A_3] : memref<128x1024xbf16, #tpu.memory_space<vmem>>, vector<128x1024xbf16>
    %get3A_5 = arith.constant 0 : index
    %get3A_6 = arith.constant 0 : index
    %get3A_7 = arith.constant 0 : index
    %get3A_8 = vector.load %arg2[%get3A_5, %get3A_6, %get3A_7] : memref<2x43x128xbf16, #tpu.memory_space<vmem>>, vector<1x43x128xbf16>
    %get3A_9 = vector.shape_cast %get3A_8 : vector<1x43x128xbf16> to vector<43x128xbf16>
    %dot_general3A = arith.constant dense<0.000000e+00> : vector<43x1024xf32>
    %dot_general3A_10 = tpu.matmul %get3A_9, %get3A_4, %dot_general3A {dimension_numbers = #tpu.dot_dimension_numbers<[1], [0], [0], [1], [0, 0, 1, 1], [], []>, transpose_lhs_hint = false} : vector<43x128xbf16>, vector<128x1024xbf16>, vector<43x1024xf32> -> vector<43x1024xf32>
    %convert_element_type3A = arith.truncf %dot_general3A_10 : vector<43x1024xf32> to vector<43x1024xbf16>
    %dot_general3A_11 = arith.constant dense<0.000000e+00> : vector<1024x1024xf32>
    %dot_general3A_12 = tpu.matmul %get3A_1, %convert_element_type3A, %dot_general3A_11 {dimension_numbers = #tpu.dot_dimension_numbers<[1], [0], [0], [1], [0, 0, 1, 1], [], []>, transpose_lhs_hint = false} : vector<1024x43xbf16>, vector<43x1024xbf16>, vector<1024x1024xf32> -> vector<1024x1024xf32>
    %convert_element_type3A_13 = arith.truncf %dot_general3A_12 : vector<1024x1024xf32> to vector<1024x1024xbf16>
    %swap3A = arith.constant 0 : index
    %swap3A_14 = arith.constant 0 : index
    %swap3A_15 = arith.constant 0 : index
    %swap3A_16 = vector.load %arg3[%swap3A, %swap3A_14, %swap3A_15] : memref<2x1024x1024xbf16, #tpu.memory_space<vmem>>, vector<1x1024x1024xbf16>
    %swap3A_17 = vector.shape_cast %swap3A_16 : vector<1x1024x1024xbf16> to vector<1024x1024xbf16>
    %swap3A_18 = vector.shape_cast %convert_element_type3A_13 : vector<1024x1024xbf16> to vector<1x1024x1024xbf16>
    tpu.vector_store %arg3[%swap3A, %swap3A_14, %swap3A_15], %swap3A_18 {strides = array<i32>} : memref<2x1024x1024xbf16, #tpu.memory_space<vmem>>, vector<1x1024x1024xbf16>,
    %get3A_19 = arith.constant 1 : index
    %get3A_20 = arith.constant 0 : index
    %get3A_21 = arith.constant 0 : index
    %get3A_22 = vector.load %arg2[%get3A_19, %get3A_20, %get3A_21] : memref<2x43x128xbf16, #tpu.memory_space<vmem>>, vector<1x43x128xbf16>
    %get3A_23 = vector.shape_cast %get3A_22 : vector<1x43x128xbf16> to vector<43x128xbf16>
    %dot_general3A_24 = arith.constant dense<0.000000e+00> : vector<43x1024xf32>
    %dot_general3A_25 = tpu.matmul %get3A_23, %get3A_4, %dot_general3A_24 {dimension_numbers = #tpu.dot_dimension_numbers<[1], [0], [0], [1], [0, 0, 1, 1], [], []>, transpose_lhs_hint = false} : vector<43x128xbf16>, vector<128x1024xbf16>, vector<43x1024xf32> -> vector<43x1024xf32>
    %convert_element_type3A_26 = arith.truncf %dot_general3A_25 : vector<43x1024xf32> to vector<43x1024xbf16>
    %dot_general3A_27 = arith.constant dense<0.000000e+00> : vector<1024x1024xf32>
    %dot_general3A_28 = tpu.matmul %get3A_1, %convert_element_type3A_26, %dot_general3A_27 {dimension_numbers = #tpu.dot_dimension_numbers<[1], [0], [0], [1], [0, 0, 1, 1], [], []>, transpose_lhs_hint = false} : vector<1024x43xbf16>, vector<43x1024xbf16>, vector<1024x1024xf32> -> vector<1024x1024xf32>
    %convert_element_type3A_29 = arith.truncf %dot_general3A_28 : vector<1024x1024xf32> to vector<1024x1024xbf16>
    %swap3A_30 = arith.constant 1 : index
    %swap3A_31 = arith.constant 0 : index
    %swap3A_32 = arith.constant 0 : index
    %swap3A_33 = vector.load %arg3[%swap3A_30, %swap3A_31, %swap3A_32] : memref<2x1024x1024xbf16, #tpu.memory_space<vmem>>, vector<1x1024x1024xbf16>
    %swap3A_34 = vector.shape_cast %swap3A_33 : vector<1x1024x1024xbf16> to vector<1024x1024xbf16>
    %swap3A_35 = vector.shape_cast %convert_element_type3A_29 : vector<1024x1024xbf16> to vector<1x1024x1024xbf16>
    tpu.vector_store %arg3[%swap3A_30, %swap3A_31, %swap3A_32], %swap3A_35 {strides = array<i32>} : memref<2x1024x1024xbf16, #tpu.memory_space<vmem>>, vector<1x1024x1024xbf16>,
    return
  }
}

module attributes {stable_mosaic.version = 14 : i64} {
  func.func @body(%arg0: memref<1024x31xbf16, #tpu.memory_space<vmem>>, %arg1: memref<128x1024xbf16, #tpu.memory_space<vmem>>, %arg2: memref<2x31x128xbf16, #tpu.memory_space<vmem>>, %arg3: memref<2x1024x1024xbf16, #tpu.memory_space<vmem>>) attributes {dimension_semantics = [], scalar_prefetch = 0 : i64, scratch_operands = 0 : i64, tpu.core_type = #tpu.core_type<tc>} {
    %get3A = arith.constant 0 : index
    %get3A_0 = arith.constant 0 : index
    %get3A_1 = vector.load %arg0[%get3A, %get3A_0] : memref<1024x31xbf16, #tpu.memory_space<vmem>>, vector<1024x31xbf16>
    %get3A_2 = arith.constant 0 : index
    %get3A_3 = arith.constant 0 : index
    %get3A_4 = vector.load %arg1[%get3A_2, %get3A_3] : memref<128x1024xbf16, #tpu.memory_space<vmem>>, vector<128x1024xbf16>
    %get3A_5 = arith.constant 0 : index
    %get3A_6 = arith.constant 0 : index
    %get3A_7 = arith.constant 0 : index
    %get3A_8 = vector.load %arg2[%get3A_5, %get3A_6, %get3A_7] : memref<2x31x128xbf16, #tpu.memory_space<vmem>>, vector<1x31x128xbf16>
    %get3A_9 = vector.shape_cast %get3A_8 : vector<1x31x128xbf16> to vector<31x128xbf16>
    %dot_general3A = arith.constant dense<0.000000e+00> : vector<31x1024xf32>
    %dot_general3A_10 = tpu.matmul %get3A_9, %get3A_4, %dot_general3A {dimension_numbers = #tpu.dot_dimension_numbers<[1], [0], [0], [1], [0, 0, 1, 1], [], []>, transpose_lhs_hint = false} : vector<31x128xbf16>, vector<128x1024xbf16>, vector<31x1024xf32> -> vector<31x1024xf32>
    %convert_element_type3A = arith.truncf %dot_general3A_10 : vector<31x1024xf32> to vector<31x1024xbf16>
    %dot_general3A_11 = arith.constant dense<0.000000e+00> : vector<1024x1024xf32>
    %dot_general3A_12 = tpu.matmul %get3A_1, %convert_element_type3A, %dot_general3A_11 {dimension_numbers = #tpu.dot_dimension_numbers<[1], [0], [0], [1], [0, 0, 1, 1], [], []>, transpose_lhs_hint = false} : vector<1024x31xbf16>, vector<31x1024xbf16>, vector<1024x1024xf32> -> vector<1024x1024xf32>
    %convert_element_type3A_13 = arith.truncf %dot_general3A_12 : vector<1024x1024xf32> to vector<1024x1024xbf16>
    %swap3A = arith.constant 0 : index
    %swap3A_14 = arith.constant 0 : index
    %swap3A_15 = arith.constant 0 : index
    %swap3A_16 = vector.load %arg3[%swap3A, %swap3A_14, %swap3A_15] : memref<2x1024x1024xbf16, #tpu.memory_space<vmem>>, vector<1x1024x1024xbf16>
    %swap3A_17 = vector.shape_cast %swap3A_16 : vector<1x1024x1024xbf16> to vector<1024x1024xbf16>
    %swap3A_18 = vector.shape_cast %convert_element_type3A_13 : vector<1024x1024xbf16> to vector<1x1024x1024xbf16>
    tpu.vector_store %arg3[%swap3A, %swap3A_14, %swap3A_15], %swap3A_18 {strides = array<i32>} : memref<2x1024x1024xbf16, #tpu.memory_space<vmem>>, vector<1x1024x1024xbf16>,
    %get3A_19 = arith.constant 1 : index
    %get3A_20 = arith.constant 0 : index
    %get3A_21 = arith.constant 0 : index
    %get3A_22 = vector.load %arg2[%get3A_19, %get3A_20, %get3A_21] : memref<2x31x128xbf16, #tpu.memory_space<vmem>>, vector<1x31x128xbf16>
    %get3A_23 = vector.shape_cast %get3A_22 : vector<1x31x128xbf16> to vector<31x128xbf16>
    %dot_general3A_24 = arith.constant dense<0.000000e+00> : vector<31x1024xf32>
    %dot_general3A_25 = tpu.matmul %get3A_23, %get3A_4, %dot_general3A_24 {dimension_numbers = #tpu.dot_dimension_numbers<[1], [0], [0], [1], [0, 0, 1, 1], [], []>, transpose_lhs_hint = false} : vector<31x128xbf16>, vector<128x1024xbf16>, vector<31x1024xf32> -> vector<31x1024xf32>
    %convert_element_type3A_26 = arith.truncf %dot_general3A_25 : vector<31x1024xf32> to vector<31x1024xbf16>
    %dot_general3A_27 = arith.constant dense<0.000000e+00> : vector<1024x1024xf32>
    %dot_general3A_28 = tpu.matmul %get3A_1, %convert_element_type3A_26, %dot_general3A_27 {dimension_numbers = #tpu.dot_dimension_numbers<[1], [0], [0], [1], [0, 0, 1, 1], [], []>, transpose_lhs_hint = false} : vector<1024x31xbf16>, vector<31x1024xbf16>, vector<1024x1024xf32> -> vector<1024x1024xf32>
    %convert_element_type3A_29 = arith.truncf %dot_general3A_28 : vector<1024x1024xf32> to vector<1024x1024xbf16>
    %swap3A_30 = arith.constant 1 : index
    %swap3A_31 = arith.constant 0 : index
    %swap3A_32 = arith.constant 0 : index
    %swap3A_33 = vector.load %arg3[%swap3A_30, %swap3A_31, %swap3A_32] : memref<2x1024x1024xbf16, #tpu.memory_space<vmem>>, vector<1x1024x1024xbf16>
    %swap3A_34 = vector.shape_cast %swap3A_33 : vector<1x1024x1024xbf16> to vector<1024x1024xbf16>
    %swap3A_35 = vector.shape_cast %convert_element_type3A_29 : vector<1024x1024xbf16> to vector<1x1024x1024xbf16>
    tpu.vector_store %arg3[%swap3A_30, %swap3A_31, %swap3A_32], %swap3A_35 {strides = array<i32>} : memref<2x1024x1024xbf16, #tpu.memory_space<vmem>>, vector<1x1024x1024xbf16>,
    return
  }
}

module attributes {stable_mosaic.version = 14 : i64} {
  func.func @body(%arg0: memref<1024x23xbf16, #tpu.memory_space<vmem>>, %arg1: memref<128x1024xbf16, #tpu.memory_space<vmem>>, %arg2: memref<2x23x128xbf16, #tpu.memory_space<vmem>>, %arg3: memref<2x1024x1024xbf16, #tpu.memory_space<vmem>>) attributes {dimension_semantics = [], scalar_prefetch = 0 : i64, scratch_operands = 0 : i64, tpu.core_type = #tpu.core_type<tc>} {
    %get3A = arith.constant 0 : index
    %get3A_0 = arith.constant 0 : index
    %get3A_1 = vector.load %arg0[%get3A, %get3A_0] : memref<1024x23xbf16, #tpu.memory_space<vmem>>, vector<1024x23xbf16>
    %get3A_2 = arith.constant 0 : index
    %get3A_3 = arith.constant 0 : index
    %get3A_4 = vector.load %arg1[%get3A_2, %get3A_3] : memref<128x1024xbf16, #tpu.memory_space<vmem>>, vector<128x1024xbf16>
    %get3A_5 = arith.constant 0 : index
    %get3A_6 = arith.constant 0 : index
    %get3A_7 = arith.constant 0 : index
    %get3A_8 = vector.load %arg2[%get3A_5, %get3A_6, %get3A_7] : memref<2x23x128xbf16, #tpu.memory_space<vmem>>, vector<1x23x128xbf16>
    %get3A_9 = vector.shape_cast %get3A_8 : vector<1x23x128xbf16> to vector<23x128xbf16>
    %dot_general3A = arith.constant dense<0.000000e+00> : vector<23x1024xf32>
    %dot_general3A_10 = tpu.matmul %get3A_9, %get3A_4, %dot_general3A {dimension_numbers = #tpu.dot_dimension_numbers<[1], [0], [0], [1], [0, 0, 1, 1], [], []>, transpose_lhs_hint = false} : vector<23x128xbf16>, vector<128x1024xbf16>, vector<23x1024xf32> -> vector<23x1024xf32>
    %convert_element_type3A = arith.truncf %dot_general3A_10 : vector<23x1024xf32> to vector<23x1024xbf16>
    %dot_general3A_11 = arith.constant dense<0.000000e+00> : vector<1024x1024xf32>
    %dot_general3A_12 = tpu.matmul %get3A_1, %convert_element_type3A, %dot_general3A_11 {dimension_numbers = #tpu.dot_dimension_numbers<[1], [0], [0], [1], [0, 0, 1, 1], [], []>, transpose_lhs_hint = false} : vector<1024x23xbf16>, vector<23x1024xbf16>, vector<1024x1024xf32> -> vector<1024x1024xf32>
    %convert_element_type3A_13 = arith.truncf %dot_general3A_12 : vector<1024x1024xf32> to vector<1024x1024xbf16>
    %swap3A = arith.constant 0 : index
    %swap3A_14 = arith.constant 0 : index
    %swap3A_15 = arith.constant 0 : index
    %swap3A_16 = vector.load %arg3[%swap3A, %swap3A_14, %swap3A_15] : memref<2x1024x1024xbf16, #tpu.memory_space<vmem>>, vector<1x1024x1024xbf16>
    %swap3A_17 = vector.shape_cast %swap3A_16 : vector<1x1024x1024xbf16> to vector<1024x1024xbf16>
    %swap3A_18 = vector.shape_cast %convert_element_type3A_13 : vector<1024x1024xbf16> to vector<1x1024x1024xbf16>
    tpu.vector_store %arg3[%swap3A, %swap3A_14, %swap3A_15], %swap3A_18 {strides = array<i32>} : memref<2x1024x1024xbf16, #tpu.memory_space<vmem>>, vector<1x1024x1024xbf16>,
    %get3A_19 = arith.constant 1 : index
    %get3A_20 = arith.constant 0 : index
    %get3A_21 = arith.constant 0 : index
    %get3A_22 = vector.load %arg2[%get3A_19, %get3A_20, %get3A_21] : memref<2x23x128xbf16, #tpu.memory_space<vmem>>, vector<1x23x128xbf16>
    %get3A_23 = vector.shape_cast %get3A_22 : vector<1x23x128xbf16> to vector<23x128xbf16>
    %dot_general3A_24 = arith.constant dense<0.000000e+00> : vector<23x1024xf32>
    %dot_general3A_25 = tpu.matmul %get3A_23, %get3A_4, %dot_general3A_24 {dimension_numbers = #tpu.dot_dimension_numbers<[1], [0], [0], [1], [0, 0, 1, 1], [], []>, transpose_lhs_hint = false} : vector<23x128xbf16>, vector<128x1024xbf16>, vector<23x1024xf32> -> vector<23x1024xf32>
    %convert_element_type3A_26 = arith.truncf %dot_general3A_25 : vector<23x1024xf32> to vector<23x1024xbf16>
    %dot_general3A_27 = arith.constant dense<0.000000e+00> : vector<1024x1024xf32>
    %dot_general3A_28 = tpu.matmul %get3A_1, %convert_element_type3A_26, %dot_general3A_27 {dimension_numbers = #tpu.dot_dimension_numbers<[1], [0], [0], [1], [0, 0, 1, 1], [], []>, transpose_lhs_hint = false} : vector<1024x23xbf16>, vector<23x1024xbf16>, vector<1024x1024xf32> -> vector<1024x1024xf32>
    %convert_element_type3A_29 = arith.truncf %dot_general3A_28 : vector<1024x1024xf32> to vector<1024x1024xbf16>
    %swap3A_30 = arith.constant 1 : index
    %swap3A_31 = arith.constant 0 : index
    %swap3A_32 = arith.constant 0 : index
    %swap3A_33 = vector.load %arg3[%swap3A_30, %swap3A_31, %swap3A_32] : memref<2x1024x1024xbf16, #tpu.memory_space<vmem>>, vector<1x1024x1024xbf16>
    %swap3A_34 = vector.shape_cast %swap3A_33 : vector<1x1024x1024xbf16> to vector<1024x1024xbf16>
    %swap3A_35 = vector.shape_cast %convert_element_type3A_29 : vector<1024x1024xbf16> to vector<1x1024x1024xbf16>
    tpu.vector_store %arg3[%swap3A_30, %swap3A_31, %swap3A_32], %swap3A_35 {strides = array<i32>} : memref<2x1024x1024xbf16, #tpu.memory_space<vmem>>, vector<1x1024x1024xbf16>,
    return
  }
}

module attributes {stable_mosaic.version = 14 : i64} {
  func.func @body(%arg0: memref<1024x17xbf16, #tpu.memory_space<vmem>>, %arg1: memref<128x1024xbf16, #tpu.memory_space<vmem>>, %arg2: memref<2x17x128xbf16, #tpu.memory_space<vmem>>, %arg3: memref<2x1024x1024xbf16, #tpu.memory_space<vmem>>) attributes {dimension_semantics = [], scalar_prefetch = 0 : i64, scratch_operands = 0 : i64, tpu.core_type = #tpu.core_type<tc>} {
    %get3A = arith.constant 0 : index
    %get3A_0 = arith.constant 0 : index
    %get3A_1 = vector.load %arg0[%get3A, %get3A_0] : memref<1024x17xbf16, #tpu.memory_space<vmem>>, vector<1024x17xbf16>
    %get3A_2 = arith.constant 0 : index
    %get3A_3 = arith.constant 0 : index
    %get3A_4 = vector.load %arg1[%get3A_2, %get3A_3] : memref<128x1024xbf16, #tpu.memory_space<vmem>>, vector<128x1024xbf16>
    %get3A_5 = arith.constant 0 : index
    %get3A_6 = arith.constant 0 : index
    %get3A_7 = arith.constant 0 : index
    %get3A_8 = vector.load %arg2[%get3A_5, %get3A_6, %get3A_7] : memref<2x17x128xbf16, #tpu.memory_space<vmem>>, vector<1x17x128xbf16>
    %get3A_9 = vector.shape_cast %get3A_8 : vector<1x17x128xbf16> to vector<17x128xbf16>
    %dot_general3A = arith.constant dense<0.000000e+00> : vector<17x1024xf32>
    %dot_general3A_10 = tpu.matmul %get3A_9, %get3A_4, %dot_general3A {dimension_numbers = #tpu.dot_dimension_numbers<[1], [0], [0], [1], [0, 0, 1, 1], [], []>, transpose_lhs_hint = false} : vector<17x128xbf16>, vector<128x1024xbf16>, vector<17x1024xf32> -> vector<17x1024xf32>
    %convert_element_type3A = arith.truncf %dot_general3A_10 : vector<17x1024xf32> to vector<17x1024xbf16>
    %dot_general3A_11 = arith.constant dense<0.000000e+00> : vector<1024x1024xf32>
    %dot_general3A_12 = tpu.matmul %get3A_1, %convert_element_type3A, %dot_general3A_11 {dimension_numbers = #tpu.dot_dimension_numbers<[1], [0], [0], [1], [0, 0, 1, 1], [], []>, transpose_lhs_hint = false} : vector<1024x17xbf16>, vector<17x1024xbf16>, vector<1024x1024xf32> -> vector<1024x1024xf32>
    %convert_element_type3A_13 = arith.truncf %dot_general3A_12 : vector<1024x1024xf32> to vector<1024x1024xbf16>
    %swap3A = arith.constant 0 : index
    %swap3A_14 = arith.constant 0 : index
    %swap3A_15 = arith.constant 0 : index
    %swap3A_16 = vector.load %arg3[%swap3A, %swap3A_14, %swap3A_15] : memref<2x1024x1024xbf16, #tpu.memory_space<vmem>>, vector<1x1024x1024xbf16>
    %swap3A_17 = vector.shape_cast %swap3A_16 : vector<1x1024x1024xbf16> to vector<1024x1024xbf16>
    %swap3A_18 = vector.shape_cast %convert_element_type3A_13 : vector<1024x1024xbf16> to vector<1x1024x1024xbf16>
    tpu.vector_store %arg3[%swap3A, %swap3A_14, %swap3A_15], %swap3A_18 {strides = array<i32>} : memref<2x1024x1024xbf16, #tpu.memory_space<vmem>>, vector<1x1024x1024xbf16>,
    %get3A_19 = arith.constant 1 : index
    %get3A_20 = arith.constant 0 : index
    %get3A_21 = arith.constant 0 : index
    %get3A_22 = vector.load %arg2[%get3A_19, %get3A_20, %get3A_21] : memref<2x17x128xbf16, #tpu.memory_space<vmem>>, vector<1x17x128xbf16>
    %get3A_23 = vector.shape_cast %get3A_22 : vector<1x17x128xbf16> to vector<17x128xbf16>
    %dot_general3A_24 = arith.constant dense<0.000000e+00> : vector<17x1024xf32>
    %dot_general3A_25 = tpu.matmul %get3A_23, %get3A_4, %dot_general3A_24 {dimension_numbers = #tpu.dot_dimension_numbers<[1], [0], [0], [1], [0, 0, 1, 1], [], []>, transpose_lhs_hint = false} : vector<17x128xbf16>, vector<128x1024xbf16>, vector<17x1024xf32> -> vector<17x1024xf32>
    %convert_element_type3A_26 = arith.truncf %dot_general3A_25 : vector<17x1024xf32> to vector<17x1024xbf16>
    %dot_general3A_27 = arith.constant dense<0.000000e+00> : vector<1024x1024xf32>
    %dot_general3A_28 = tpu.matmul %get3A_1, %convert_element_type3A_26, %dot_general3A_27 {dimension_numbers = #tpu.dot_dimension_numbers<[1], [0], [0], [1], [0, 0, 1, 1], [], []>, transpose_lhs_hint = false} : vector<1024x17xbf16>, vector<17x1024xbf16>, vector<1024x1024xf32> -> vector<1024x1024xf32>
    %convert_element_type3A_29 = arith.truncf %dot_general3A_28 : vector<1024x1024xf32> to vector<1024x1024xbf16>
    %swap3A_30 = arith.constant 1 : index
    %swap3A_31 = arith.constant 0 : index
    %swap3A_32 = arith.constant 0 : index
    %swap3A_33 = vector.load %arg3[%swap3A_30, %swap3A_31, %swap3A_32] : memref<2x1024x1024xbf16, #tpu.memory_space<vmem>>, vector<1x1024x1024xbf16>
    %swap3A_34 = vector.shape_cast %swap3A_33 : vector<1x1024x1024xbf16> to vector<1024x1024xbf16>
    %swap3A_35 = vector.shape_cast %convert_element_type3A_29 : vector<1024x1024xbf16> to vector<1x1024x1024xbf16>
    tpu.vector_store %arg3[%swap3A_30, %swap3A_31, %swap3A_32], %swap3A_35 {strides = array<i32>} : memref<2x1024x1024xbf16, #tpu.memory_space<vmem>>, vector<1x1024x1024xbf16>,
    return
  }
}

module attributes {stable_mosaic.version = 14 : i64} {
  func.func @body(%arg0: i32, %arg1: memref<2x16384xbf16, #tpu.memory_space<vmem>>, %arg2: memref<2x16384xbf16, #tpu.memory_space<vmem>>, %arg3: memref<2x16384xbf16, #tpu.memory_space<vmem>>, %arg4: memref<2x16384xbf16, #tpu.memory_space<vmem>>, %arg5: memref<2x16384xbf16, #tpu.memory_space<vmem>>, %arg6: memref<2x16384xbf16, #tpu.memory_space<vmem>>, %arg7: memref<2x16384xbf16, #tpu.memory_space<vmem>>, %arg8: memref<2x16384xbf16, #tpu.memory_space<vmem>>, %arg9: memref<2x16384xbf16, #tpu.memory_space<vmem>>, %arg10: memref<2x16384xbf16, #tpu.memory_space<vmem>>, %arg11: memref<2x16384xbf16, #tpu.memory_space<vmem>>, %arg12: memref<2x16384xbf16, #tpu.memory_space<vmem>>, %arg13: memref<2x16384xbf16, #tpu.memory_space<vmem>>, %arg14: memref<2x16384xbf16, #tpu.memory_space<vmem>>, %arg15: memref<2x16384xbf16, #tpu.memory_space<vmem>>, %arg16: memref<2x16384xbf16, #tpu.memory_space<vmem>>, %arg17: memref<64x32xbf16, #tpu.memory_space<vmem>>, %arg18: memref<64x1xf32, #tpu.memory_space<vmem>>, %arg19: memref<64x64xbf16, #tpu.memory_space<vmem>>, %arg20: memref<64x1xf32, #tpu.memory_space<vmem>>, %arg21: memref<3x64xbf16, #tpu.memory_space<vmem>>, %arg22: memref<3x1xf32, #tpu.memory_space<vmem>>, %arg23: memref<3x16384xf32, #tpu.memory_space<vmem>>) attributes {dimension_semantics = [#tpu.dimension_semantics<arbitrary>], iteration_bounds = array<i64: 64>, scalar_prefetch = 0 : i64, scratch_operands = 0 : i64, tpu.core_type = #tpu.core_type<tc>, window_params = [{transform_indices = @transform_0, window_bounds = array<i64: 2, 16384>}, {transform_indices = @transform_1, window_bounds = array<i64: 2, 16384>}, {transform_indices = @transform_2, window_bounds = array<i64: 2, 16384>}, {transform_indices = @transform_3, window_bounds = array<i64: 2, 16384>}, {transform_indices = @transform_4, window_bounds = array<i64: 2, 16384>}, {transform_indices = @transform_5, window_bounds = array<i64: 2, 16384>}, {transform_indices = @transform_6, window_bounds = array<i64: 2, 16384>}, {transform_indices = @transform_7, window_bounds = array<i64: 2, 16384>}, {transform_indices = @transform_8, window_bounds = array<i64: 2, 16384>}, {transform_indices = @transform_9, window_bounds = array<i64: 2, 16384>}, {transform_indices = @transform_10, window_bounds = array<i64: 2, 16384>}, {transform_indices = @transform_11, window_bounds = array<i64: 2, 16384>}, {transform_indices = @transform_12, window_bounds = array<i64: 2, 16384>}, {transform_indices = @transform_13, window_bounds = array<i64: 2, 16384>}, {transform_indices = @transform_14, window_bounds = array<i64: 2, 16384>}, {transform_indices = @transform_15, window_bounds = array<i64: 2, 16384>}, {pipeline_mode = #tpu.pipeline_mode<synchronous>, transform_indices = @transform_16, window_bounds = array<i64: 64, 32>}, {pipeline_mode = #tpu.pipeline_mode<synchronous>, transform_indices = @transform_17, window_bounds = array<i64: 64, 1>}, {pipeline_mode = #tpu.pipeline_mode<synchronous>, transform_indices = @transform_18, window_bounds = array<i64: 64, 64>}, {pipeline_mode = #tpu.pipeline_mode<synchronous>, transform_indices = @transform_19, window_bounds = array<i64: 64, 1>}, {pipeline_mode = #tpu.pipeline_mode<synchronous>, transform_indices = @transform_20, window_bounds = array<i64: 3, 64>}, {pipeline_mode = #tpu.pipeline_mode<synchronous>, transform_indices = @transform_21, window_bounds = array<i64: 3, 1>}, {transform_indices = @transform_22, window_bounds = array<i64: 3, 16384>}]} {
    %get3A = arith.constant 0 : index
    %get3A_0 = arith.constant 0 : index
    %get3A_1 = vector.load %arg1[%get3A, %get3A_0] : memref<2x16384xbf16, #tpu.memory_space<vmem>>, vector<2x16384xbf16>
    %get3A_2 = arith.constant 0 : index
    %get3A_3 = arith.constant 0 : index
    %get3A_4 = vector.load %arg2[%get3A_2, %get3A_3] : memref<2x16384xbf16, #tpu.memory_space<vmem>>, vector<2x16384xbf16>
    %get3A_5 = arith.constant 0 : index
    %get3A_6 = arith.constant 0 : index
    %get3A_7 = vector.load %arg3[%get3A_5, %get3A_6] : memref<2x16384xbf16, #tpu.memory_space<vmem>>, vector<2x16384xbf16>
    %get3A_8 = arith.constant 0 : index
    %get3A_9 = arith.constant 0 : index
    %get3A_10 = vector.load %arg4[%get3A_8, %get3A_9] : memref<2x16384xbf16, #tpu.memory_space<vmem>>, vector<2x16384xbf16>
    %get3A_11 = arith.constant 0 : index
    %get3A_12 = arith.constant 0 : index
    %get3A_13 = vector.load %arg5[%get3A_11, %get3A_12] : memref<2x16384xbf16, #tpu.memory_space<vmem>>, vector<2x16384xbf16>
    %get3A_14 = arith.constant 0 : index
    %get3A_15 = arith.constant 0 : index
    %get3A_16 = vector.load %arg6[%get3A_14, %get3A_15] : memref<2x16384xbf16, #tpu.memory_space<vmem>>, vector<2x16384xbf16>
    %get3A_17 = arith.constant 0 : index
    %get3A_18 = arith.constant 0 : index
    %get3A_19 = vector.load %arg7[%get3A_17, %get3A_18] : memref<2x16384xbf16, #tpu.memory_space<vmem>>, vector<2x16384xbf16>
    %get3A_20 = arith.constant 0 : index
    %get3A_21 = arith.constant 0 : index
    %get3A_22 = vector.load %arg8[%get3A_20, %get3A_21] : memref<2x16384xbf16, #tpu.memory_space<vmem>>, vector<2x16384xbf16>
    %get3A_23 = arith.constant 0 : index
    %get3A_24 = arith.constant 0 : index
    %get3A_25 = vector.load %arg9[%get3A_23, %get3A_24] : memref<2x16384xbf16, #tpu.memory_space<vmem>>, vector<2x16384xbf16>
    %get3A_26 = arith.constant 0 : index
    %get3A_27 = arith.constant 0 : index
    %get3A_28 = vector.load %arg10[%get3A_26, %get3A_27] : memref<2x16384xbf16, #tpu.memory_space<vmem>>, vector<2x16384xbf16>
    %get3A_29 = arith.constant 0 : index
    %get3A_30 = arith.constant 0 : index
    %get3A_31 = vector.load %arg11[%get3A_29, %get3A_30] : memref<2x16384xbf16, #tpu.memory_space<vmem>>, vector<2x16384xbf16>
    %get3A_32 = arith.constant 0 : index
    %get3A_33 = arith.constant 0 : index
    %get3A_34 = vector.load %arg12[%get3A_32, %get3A_33] : memref<2x16384xbf16, #tpu.memory_space<vmem>>, vector<2x16384xbf16>
    %get3A_35 = arith.constant 0 : index
    %get3A_36 = arith.constant 0 : index
    %get3A_37 = vector.load %arg13[%get3A_35, %get3A_36] : memref<2x16384xbf16, #tpu.memory_space<vmem>>, vector<2x16384xbf16>
    %get3A_38 = arith.constant 0 : index
    %get3A_39 = arith.constant 0 : index
    %get3A_40 = vector.load %arg14[%get3A_38, %get3A_39] : memref<2x16384xbf16, #tpu.memory_space<vmem>>, vector<2x16384xbf16>
    %get3A_41 = arith.constant 0 : index
    %get3A_42 = arith.constant 0 : index
    %get3A_43 = vector.load %arg15[%get3A_41, %get3A_42] : memref<2x16384xbf16, #tpu.memory_space<vmem>>, vector<2x16384xbf16>
    %get3A_44 = arith.constant 0 : index
    %get3A_45 = arith.constant 0 : index
    %get3A_46 = vector.load %arg16[%get3A_44, %get3A_45] : memref<2x16384xbf16, #tpu.memory_space<vmem>>, vector<2x16384xbf16>
    %concatenate3A = tpu.concatenate %get3A_1, %get3A_4, %get3A_7, %get3A_10, %get3A_13, %get3A_16, %get3A_19, %get3A_22, %get3A_25, %get3A_28, %get3A_31, %get3A_34, %get3A_37, %get3A_40, %get3A_43, %get3A_46 in 0 : vector<2x16384xbf16>, vector<2x16384xbf16>, vector<2x16384xbf16>, vector<2x16384xbf16>, vector<2x16384xbf16>, vector<2x16384xbf16>, vector<2x16384xbf16>, vector<2x16384xbf16>, vector<2x16384xbf16>, vector<2x16384xbf16>, vector<2x16384xbf16>, vector<2x16384xbf16>, vector<2x16384xbf16>, vector<2x16384xbf16>, vector<2x16384xbf16>, vector<2x16384xbf16> -> vector<32x16384xbf16>
    %get3A_47 = arith.constant 0 : index
    %get3A_48 = arith.constant 0 : index
    %get3A_49 = vector.load %arg17[%get3A_47, %get3A_48] : memref<64x32xbf16, #tpu.memory_space<vmem>>, vector<64x32xbf16>
    %dot_general3A = arith.constant dense<0.000000e+00> : vector<64x16384xf32>
    %dot_general3A_50 = tpu.matmul %get3A_49, %concatenate3A, %dot_general3A {dimension_numbers = #tpu.dot_dimension_numbers<[1], [0], [0], [1], [0, 0, 1, 1], [], []>, transpose_lhs_hint = false} : vector<64x32xbf16>, vector<32x16384xbf16>, vector<64x16384xf32> -> vector<64x16384xf32>
    %get3A_51 = arith.constant 0 : index
    %get3A_52 = arith.constant 0 : index
    %get3A_53 = vector.load %arg18[%get3A_51, %get3A_52] : memref<64x1xf32, #tpu.memory_space<vmem>>, vector<64x1xf32>
    %add3A = vector.broadcast %get3A_53 : vector<64x1xf32> to vector<64x16384xf32>
    %add3A_54 = arith.addf %dot_general3A_50, %add3A : vector<64x16384xf32>
    %max3A = arith.constant 0.000000e+00 : f32
    %max3A_55 = vector.broadcast %max3A : f32 to vector<64x16384xf32>
    %max3A_56 = arith.maximumf %add3A_54, %max3A_55 : vector<64x16384xf32>
    %convert_element_type3A = arith.truncf %max3A_56 : vector<64x16384xf32> to vector<64x16384xbf16>
    %get3A_57 = arith.constant 0 : index
    %get3A_58 = arith.constant 0 : index
    %get3A_59 = vector.load %arg19[%get3A_57, %get3A_58] : memref<64x64xbf16, #tpu.memory_space<vmem>>, vector<64x64xbf16>
    %dot_general3A_60 = arith.constant dense<0.000000e+00> : vector<64x16384xf32>
    %dot_general3A_61 = tpu.matmul %get3A_59, %convert_element_type3A, %dot_general3A_60 {dimension_numbers = #tpu.dot_dimension_numbers<[1], [0], [0], [1], [0, 0, 1, 1], [], []>, transpose_lhs_hint = false} : vector<64x64xbf16>, vector<64x16384xbf16>, vector<64x16384xf32> -> vector<64x16384xf32>
    %get3A_62 = arith.constant 0 : index
    %get3A_63 = arith.constant 0 : index
    %get3A_64 = vector.load %arg20[%get3A_62, %get3A_63] : memref<64x1xf32, #tpu.memory_space<vmem>>, vector<64x1xf32>
    %add3A_65 = vector.broadcast %get3A_64 : vector<64x1xf32> to vector<64x16384xf32>
    %add3A_66 = arith.addf %dot_general3A_61, %add3A_65 : vector<64x16384xf32>
    %max3A_67 = arith.constant 0.000000e+00 : f32
    %max3A_68 = vector.broadcast %max3A_67 : f32 to vector<64x16384xf32>
    %max3A_69 = arith.maximumf %add3A_66, %max3A_68 : vector<64x16384xf32>
    %convert_element_type3A_70 = arith.truncf %max3A_69 : vector<64x16384xf32> to vector<64x16384xbf16>
    %get3A_71 = arith.constant 0 : index
    %get3A_72 = arith.constant 0 : index
    %get3A_73 = vector.load %arg21[%get3A_71, %get3A_72] : memref<3x64xbf16, #tpu.memory_space<vmem>>, vector<3x64xbf16>
    %dot_general3A_74 = arith.constant dense<0.000000e+00> : vector<3x16384xf32>
    %dot_general3A_75 = tpu.matmul %get3A_73, %convert_element_type3A_70, %dot_general3A_74 {dimension_numbers = #tpu.dot_dimension_numbers<[1], [0], [0], [1], [0, 0, 1, 1], [], []>, transpose_lhs_hint = false} : vector<3x64xbf16>, vector<64x16384xbf16>, vector<3x16384xf32> -> vector<3x16384xf32>
    %get3A_76 = arith.constant 0 : index
    %get3A_77 = arith.constant 0 : index
    %get3A_78 = vector.load %arg22[%get3A_76, %get3A_77] : memref<3x1xf32, #tpu.memory_space<vmem>>, vector<3x1xf32>
    %add3A_79 = vector.broadcast %get3A_78 : vector<3x1xf32> to vector<3x16384xf32>
    %add3A_80 = arith.addf %dot_general3A_75, %add3A_79 : vector<3x16384xf32>
    %logistic3A = arith.negf %add3A_80 : vector<3x16384xf32>
    %logistic3A_81 = math.exp %logistic3A : vector<3x16384xf32>
    %logistic3A_82 = arith.constant 1.000000e+00 : f32
    %logistic3A_83 = vector.broadcast %logistic3A_82 : f32 to vector<3x16384xf32>
    %logistic3A_84 = arith.addf %logistic3A_83, %logistic3A_81 : vector<3x16384xf32>
    %logistic3A_85 = arith.divf %logistic3A_83, %logistic3A_84 : vector<3x16384xf32>
    %swap3A = arith.constant 0 : index
    %swap3A_86 = arith.constant 0 : index
    %swap3A_87 = vector.load %arg23[%swap3A, %swap3A_86] : memref<3x16384xf32, #tpu.memory_space<vmem>>, vector<3x16384xf32>
    tpu.vector_store %arg23[%swap3A, %swap3A_86], %logistic3A_85 {strides = array<i32>} : memref<3x16384xf32, #tpu.memory_space<vmem>>, vector<3x16384xf32>,
    return
  }
  func.func @transform_0(%arg0: i32) -> (i32, i32) {
    %c0_i32 = arith.constant 0 : i32
    %c0_i32_0 = arith.constant 0 : i32
    return %c0_i32, %arg0 : i32, i32
  }
  func.func @transform_1(%arg0: i32) -> (i32, i32) {
    %c0_i32 = arith.constant 0 : i32
    %c0_i32_0 = arith.constant 0 : i32
    return %c0_i32, %arg0 : i32, i32
  }
  func.func @transform_2(%arg0: i32) -> (i32, i32) {
    %c0_i32 = arith.constant 0 : i32
    %c0_i32_0 = arith.constant 0 : i32
    return %c0_i32, %arg0 : i32, i32
  }
  func.func @transform_3(%arg0: i32) -> (i32, i32) {
    %c0_i32 = arith.constant 0 : i32
    %c0_i32_0 = arith.constant 0 : i32
    return %c0_i32, %arg0 : i32, i32
  }
  func.func @transform_4(%arg0: i32) -> (i32, i32) {
    %c0_i32 = arith.constant 0 : i32
    %c0_i32_0 = arith.constant 0 : i32
    return %c0_i32, %arg0 : i32, i32
  }
  func.func @transform_5(%arg0: i32) -> (i32, i32) {
    %c0_i32 = arith.constant 0 : i32
    %c0_i32_0 = arith.constant 0 : i32
    return %c0_i32, %arg0 : i32, i32
  }
  func.func @transform_6(%arg0: i32) -> (i32, i32) {
    %c0_i32 = arith.constant 0 : i32
    %c0_i32_0 = arith.constant 0 : i32
    return %c0_i32, %arg0 : i32, i32
  }
  func.func @transform_7(%arg0: i32) -> (i32, i32) {
    %c0_i32 = arith.constant 0 : i32
    %c0_i32_0 = arith.constant 0 : i32
    return %c0_i32, %arg0 : i32, i32
  }
  func.func @transform_8(%arg0: i32) -> (i32, i32) {
    %c0_i32 = arith.constant 0 : i32
    %c0_i32_0 = arith.constant 0 : i32
    return %c0_i32, %arg0 : i32, i32
  }
  func.func @transform_9(%arg0: i32) -> (i32, i32) {
    %c0_i32 = arith.constant 0 : i32
    %c0_i32_0 = arith.constant 0 : i32
    return %c0_i32, %arg0 : i32, i32
  }
  func.func @transform_10(%arg0: i32) -> (i32, i32) {
    %c0_i32 = arith.constant 0 : i32
    %c0_i32_0 = arith.constant 0 : i32
    return %c0_i32, %arg0 : i32, i32
  }
  func.func @transform_11(%arg0: i32) -> (i32, i32) {
    %c0_i32 = arith.constant 0 : i32
    %c0_i32_0 = arith.constant 0 : i32
    return %c0_i32, %arg0 : i32, i32
  }
  func.func @transform_12(%arg0: i32) -> (i32, i32) {
    %c0_i32 = arith.constant 0 : i32
    %c0_i32_0 = arith.constant 0 : i32
    return %c0_i32, %arg0 : i32, i32
  }
  func.func @transform_13(%arg0: i32) -> (i32, i32) {
    %c0_i32 = arith.constant 0 : i32
    %c0_i32_0 = arith.constant 0 : i32
    return %c0_i32, %arg0 : i32, i32
  }
  func.func @transform_14(%arg0: i32) -> (i32, i32) {
    %c0_i32 = arith.constant 0 : i32
    %c0_i32_0 = arith.constant 0 : i32
    return %c0_i32, %arg0 : i32, i32
  }
  func.func @transform_15(%arg0: i32) -> (i32, i32) {
    %c0_i32 = arith.constant 0 : i32
    %c0_i32_0 = arith.constant 0 : i32
    return %c0_i32, %arg0 : i32, i32
  }
  func.func @transform_16(%arg0: i32) -> (i32, i32) {
    %c0_i32 = arith.constant 0 : i32
    %c0_i32_0 = arith.constant 0 : i32
    %c0_i32_1 = arith.constant 0 : i32
    return %c0_i32, %c0_i32_0 : i32, i32
  }
  func.func @transform_17(%arg0: i32) -> (i32, i32) {
    %c0_i32 = arith.constant 0 : i32
    %c0_i32_0 = arith.constant 0 : i32
    %c0_i32_1 = arith.constant 0 : i32
    return %c0_i32, %c0_i32_0 : i32, i32
  }
  func.func @transform_18(%arg0: i32) -> (i32, i32) {
    %c0_i32 = arith.constant 0 : i32
    %c0_i32_0 = arith.constant 0 : i32
    %c0_i32_1 = arith.constant 0 : i32
    return %c0_i32, %c0_i32_0 : i32, i32
  }
  func.func @transform_19(%arg0: i32) -> (i32, i32) {
    %c0_i32 = arith.constant 0 : i32
    %c0_i32_0 = arith.constant 0 : i32
    %c0_i32_1 = arith.constant 0 : i32
    return %c0_i32, %c0_i32_0 : i32, i32
  }
  func.func @transform_20(%arg0: i32) -> (i32, i32) {
    %c0_i32 = arith.constant 0 : i32
    %c0_i32_0 = arith.constant 0 : i32
    %c0_i32_1 = arith.constant 0 : i32
    return %c0_i32, %c0_i32_0 : i32, i32
  }
  func.func @transform_21(%arg0: i32) -> (i32, i32) {
    %c0_i32 = arith.constant 0 : i32
    %c0_i32_0 = arith.constant 0 : i32
    %c0_i32_1 = arith.constant 0 : i32
    return %c0_i32, %c0_i32_0 : i32, i32
  }
  func.func @transform_22(%arg0: i32) -> (i32, i32) {
    %c0_i32 = arith.constant 0 : i32
    %c0_i32_0 = arith.constant 0 : i32
    return %c0_i32, %arg0 : i32, i32
  }
}

</mosaic_0001>

<sc_bundles>
// kernel: kernel.19.cloned.1.call-start
scs
__scs_entry_jumppad:
0x0: {  	(pc) =	sbr.rel $0x88, $3  }
0x1: {  	(tag) =	ssettag $0x0;
	lr =	simm.s32 $0x1  }
0x2: {  	[smem:$0x3F9A] =	sst lr;
	_ =	strace $0xD0000000  }
0x3: {  	_ = 	snop  }
0x4: {  	_ = 	snop  }
0x5: {  	_ = 	snop  }
0x6: {  	_ = 	snop  }
0x7: {  	_ = 	snop  }
__scs_overlays_trampoline_lowered:
0x8: {  	[smem:$0x3FA9] =	sst s0  }
0x9: {  	[smem:$0x3FAA] =	sst s1  }
0xa: {  	[smem:$0x3FAB] =	sst s2  }
0xb: {  	[smem:$0x3FAC] =	sst s3  }
0xc: {  	[smem:$0x3FAD] =	sst s4  }
0xd: {  	[smem:$0x3FAE] =	sst s5  }
0xe: {  	[smem:$0x3FAF] =	sst s6  }
0xf: {  	[smem:$0x3FB0] =	sst s7  }
0x10: {  	[smem:$0x3FB1] =	sst s8  }
0x11: {  	[smem:$0x3FB2] =	sst s9;
	s0 =	simm.s32 @!p0 $0x0  }
0x12: {  	s1 =	sld [smem:$0x3F98];
	s0 =	simm.s32 @p0 $0x1  }
0x13: {  	[smem:$0x3FB3] =	sst s0;
	s0 =	simm.s32 @!p1 $0x0  }
0x14: {  	s2 =	sld [smem:$0x3F97];
	s0 =	simm.s32 @p1 $0x1  }
0x15: {  	[smem:$0x3FB4] =	sst s0;
	s0 =	simm.s32 @!p2 $0x0  }
0x16: {  	s3 =	sld [smem:$0x3FDB];
	s0 =	simm.s32 @p2 $0x1  }
0x17: {  	s4 =	simm.s32 $0x1BF5;
	[smem:$0x3FB6] =	sst s0  }
0x18: {  	s0 =	sld [smem:$0x3F99];
	_ =	swait.ge [sflag:s4], $0x0  }
0x19: {  	s7 =	sld [smem:$0x3F9A]  }
0x1a: {  	s8 =	sadd.s32 $0xFFFFE003, lr  }
0x1b: {  	s9 =	sadd.s32 $0xFFFFFEF7, lr;
	s5 =	simm.s32 $0xFFFFFFFF;
	p2 =	slt.u32 s8, $0xFFFFF086  }
0x1c: {  	p1 =	slt.u32 s9, $0xF7A;
	s5 =	simm.s32 @!p2 $0x0  }
0x1d: {  	s5 =	simm.s32 @p1 $0x1;
	p0 =	seq.s32 s7, s2  }
0x1e: {  	s7 =	smul.u32 @!p0 $0xF7A, s2;
	p2 =	seq.s32 @!p0 s5, $0x0  }
0x1f: {  	s9 =	smul.u32 $0xF7A, s1;
	s8 =	simm.s32 @!p0 $0x1BF5;
	p2 =	por !p2, p0  }
0x20: {  	[sflag:s8] =	ssyncset.s32 @!p0 $0xFFFFF086;
	s6 =	sadd.s32 @!p0 s3, s7;
	s7 =	simm.s32 @!p0 $0x108  }
0x21: {  	s3 =	sadd.s32 s3, s9;
	s6 =	sadd.s32 @!p0 $0x88, s6;
	s7 =	simm.s32 @p2 $0x1082  }
0x22: {  	[simem:s7], [sflag:s8] =	dma.local @!p0 [hbm:s6], $0xF7A  }
0x23: {  	s9 =	sor.u32 $0xD0000000, s2;
	s6 =	simm.s32 $0x108;
	_ =	swait.ge @!p0 [sflag:s8], $0x0  }
0x24: {  	s3 =	sadd.s32 $0x88, s3;
	s6 =	simm.s32 @!p1 $0x1082;
	[sflag:s4] =	ssyncset.s32 $0xFFFFF086  }
0x25: {  	[simem:s6], [sflag:s4] =	dma.local [hbm:s3], $0xF7A  }
0x26: {  	[smem:$0x3F9A] =	sst s1;
	(tag) =	ssettag s2;
	_ =	strace s9  }
0x27: {  	s1 =	sld [smem:$0x3FAA]  }
0x28: {  	s2 =	sld [smem:$0x3FAB]  }
0x29: {  	s4 =	sld [smem:$0x3FAD]  }
0x2a: {  	p0 =	seq.s32 s5, $0x0;
	s5 =	sld [smem:$0x3FAE]  }
0x2b: {  	s6 =	sld [smem:$0x3FAF]  }
0x2c: {  	s7 =	sld [smem:$0x3FB0]  }
0x2d: {  	s3 =	simm.s32 $0x108;
	s8 =	sld [smem:$0x3FB1]  }
0x2e: {  	s3 =	simm.s32 @!p0 $0x1082;
	s9 =	sld [smem:$0x3FB2]  }
0x2f: {  	lr =	sadd.s32 s0, s3;
	s0 =	sld [smem:$0x3FA9]  }
0x30: {  	s3 =	sld [smem:$0x3FAC]  }
0x31: {  	[smem:$0x3FB5] =	sst s10  }
0x32: {  	s10 =	sld [smem:$0x3FB3];
	_ =	sdelay $0x3  }
0x33: {  	p0 =	seq.s32 s10, $0x1;
	s10 =	sld [smem:$0x3FB5];
	_ =	sdelay $0x3  }
0x34: {  	[smem:$0x3FB5] =	sst s10  }
0x35: {  	s10 =	sld [smem:$0x3FB4];
	_ =	sdelay $0x3  }
0x36: {  	p1 =	seq.s32 s10, $0x1;
	s10 =	sld [smem:$0x3FB5];
	_ =	sdelay $0x3  }
0x37: {  	[smem:$0x3FB5] =	sst s10  }
0x38: {  	s10 =	sld [smem:$0x3FB6]  }
0x39: {  	_ = 	snop;
	(pc) =	sbr.ind lr, $3  }
0x3a: {  	_ = 	snop  }
0x3b: {  	_ = 	snop  }
0x3c: {  	p2 =	seq.s32 s10, $0x1;
	s10 =	sld [smem:$0x3FB5]  }
0x3d: {  	_ =	shalt  }
0x3e: {  	_ =	shalt  }
0x3f: {  	_ =	shalt  }
0x40: {  	_ =	shalt  }
0x41: {  	_ =	shalt  }
0x42: {  	_ =	shalt  }
0x43: {  	_ =	shalt  }
0x44: {  	_ =	shalt  }
0x45: {  	_ =	shalt  }
0x46: {  	_ =	shalt  }
0x47: {  	_ =	shalt  }
0x48: {  	_ =	shalt  }
0x49: {  	_ =	shalt  }
0x4a: {  	_ =	shalt  }
0x4b: {  	_ =	shalt  }
0x4c: {  	_ =	shalt  }
0x4d: {  	_ =	shalt  }
0x4e: {  	_ =	shalt  }
0x4f: {  	_ =	shalt  }
0x50: {  	_ =	shalt  }
0x51: {  	_ =	shalt  }
0x52: {  	_ =	shalt  }
0x53: {  	_ =	shalt  }
0x54: {  	_ =	shalt  }
0x55: {  	_ =	shalt  }
0x56: {  	_ =	shalt  }
0x57: {  	_ =	shalt  }
0x58: {  	_ =	shalt  }
0x59: {  	_ =	shalt  }
0x5a: {  	_ =	shalt  }
0x5b: {  	_ =	shalt  }
0x5c: {  	_ =	shalt  }
0x5d: {  	_ =	shalt  }
0x5e: {  	_ =	shalt  }
0x5f: {  	_ =	shalt  }
0x60: {  	_ =	shalt  }
0x61: {  	_ =	shalt  }
0x62: {  	_ =	shalt  }
0x63: {  	_ =	shalt  }
0x64: {  	_ =	shalt  }
0x65: {  	_ =	shalt  }
0x66: {  	_ =	shalt  }
0x67: {  	_ =	shalt  }
0x68: {  	_ =	shalt  }
0x69: {  	_ =	shalt  }
0x6a: {  	_ =	shalt  }
0x6b: {  	_ =	shalt  }
0x6c: {  	_ =	shalt  }
0x6d: {  	_ =	shalt  }
0x6e: {  	_ =	shalt  }
0x6f: {  	_ =	shalt  }
0x70: {  	_ =	shalt  }
0x71: {  	_ =	shalt  }
0x72: {  	_ =	shalt  }
0x73: {  	_ =	shalt  }
0x74: {  	_ =	shalt  }
0x75: {  	_ =	shalt  }
0x76: {  	_ =	shalt  }
0x77: {  	_ =	shalt  }
0x78: {  	_ =	shalt  }
0x79: {  	_ =	shalt  }
0x7a: {  	_ =	shalt  }
0x7b: {  	_ =	shalt  }
0x7c: {  	_ =	shalt  }
0x7d: {  	_ =	shalt  }
0x7e: {  	_ =	shalt  }
0x7f: {  	_ =	shalt  }
0x80: {  	_ =	shalt  }
0x81: {  	_ =	shalt  }
0x82: {  	_ =	shalt  }
0x83: {  	_ =	shalt  }
0x84: {  	_ =	shalt  }
0x85: {  	_ =	shalt  }
0x86: {  	_ =	shalt  }
0x87: {  	_ =	shalt  }
.Lfunc_end0:
.L_simem_size_0:
called_computation_lowered:
.L_overlay_start_0:
0x88: {  	s2 =	sld [smem:$0x3FD9]  }
0x89: {  	s3 =	sld [smem:$0x3FFE];
	_ =	sdelay $0x1  }
0x8a: {  	s1 =	srdreg.scid  }
0x8b: {  	s0 =	sand.u32 $0x1, s1  }
0x8c: {  	s17 =	sshll.u32 s0, $0xA;
	s2 =	sadd.s32 s3, s2  }
0x8d: {  	s2 =	sadd.s32 s2, s17  }
0x8e: {  	[smem:$0x3FC1] =	sst s2  }
0x8f: {  	_ = 	snop  }
0x90: {  	s2 =	sld [smem:$0x3FC9];
	(tm) =	ssettm $0x1  }
0x91: {  	s18 =	sld [smem:$0x3FFB];
	_ =	sdelay $0x3  }
0x92: {  	_ =	strace s18  }
0x93: {  	s3 =	sld [smem:$0x3FFC];
	_ =	sdelay $0x3  }
0x94: {  	_ =	strace s3  }
0x95: {  	s3 =	sld [smem:$0x3FFD];
	_ =	sdelay $0x3  }
0x96: {  	_ =	strace s3  }
0x97: {  	_ =	strace $0x8FFFFFFF  }
0x98: {  	s19 =	sld [smem:$0x3FDB];
	_ =	sdelay $0x1  }
0x99: {  	s4 =	simm.s32 $_scs_section_size  }
0x9a: {  	s5 =	simm.s32 $_size__tile_overlayer_lowered;
	s6 =	simm.s32 $_tile_overlayer_lowered  }
0x9b: {  	s22 =	simm.s32 $0x1BFF;
	s21 =	sshll.u32 s6, $0x1;
	s3 =	sadd.s32 s4, s19  }
0x9c: {  	s7 =	simm.s32 $0x0;
	s20 =	sshll.u32 s5, $0x1;
	s5 =	sadd.s32 s21, s3  }
0x9d: {  	[timem:s7], [sflag:s22] =	dma.local [hbm:s5], s20  }
0x9e: {  	_ =	swait.ge [sflag:s22], s20  }
0x9f: {  	s4 =	ssub.s32 $0x0, s20;
	[sflag:s22] =	ssyncset.done $0x0  }
0xa0: {  	[sflag:s22] =	ssyncadd.s32 s4;
	_ =	sdelay $0x1  }
0xa1: {  	s23 =	simm.s32 $0x1B8B  }
0xa2: {  	_ =	swait.ge [sflag:s23], $0x1  }
0xa3: {  	[sflag:s23] =	ssyncset.done $0x0  }
0xa4: {  	s25 =	simm.s32 $0x1B8E;
	s24 =	sld [smem:$0x3FFE];
	[sflag:s23] =	ssyncadd.s32 $0xFFFFFFFF  }
0xa5: {  	s26 =	simm.s32 $execute0_lowered;
	[smem:$0x3FD2] =	sst s25  }
0xa6: {  	s5 =	sshll.u32 s26, $0x1;
	_ =	strace $0x80000046;
	[dreg:$0x1] =	wrdreg $0xFFFFFFFF  }
0xa7: {  	s28 =	simm.s32 $_size_execute0_lowered;
	s3 =	sadd.s32 s3, s5;
	[dreg:$0x0] =	wrdreg $0x0  }
0xa8: {  	s5 =	sshll.u32 s28, $0x1;
	[dreg:$0x2] =	wrdreg s3  }
0xa9: {  	[dreg:$0x3] =	wrdreg s5  }
0xaa: {  	[dreg:$0x4] =	wrdreg $0xC0  }
0xab: {  	_ =	task [dreg:s7], $0x5FFFF  }
0xac: {  	[dreg:$0x1] =	wrdreg $0xFFFFFFFF  }
0xad: {  	[dreg:$0x0] =	wrdreg $0x60  }
0xae: {  	[dreg:$0x2] =	wrdreg s2  }
0xaf: {  	[dreg:$0x3] =	wrdreg s24  }
0xb0: {  	[dreg:$0x4] =	wrdreg $0x9  }
0xb1: {  	_ =	task.clear_ibuf [dreg:s7], $0x5FFFF;
	_ =	strace $0x90000046  }
0xb2: {  	s29 =	simm.s32 $0x9;
	_ =	strace $0x80000048  }
0xb3: {  	_ =	swait.ge [sflag:s29], $0x1  }
0xb4: {  	[sflag:s29] =	ssyncadd.s32 $0xFFFFFFFF  }
0xb5: {  	_ =	strace $0x90000048  }
0xb6: {  	_ =	sfence  }
0xb7: {  	s30 =	sld [smem:$0x0];
	_ =	sdelay $0x2  }
0xb8: {  	s31 =	sshll.u32 s1, $0xD;
	s1 =	sshrl.u32 s1, $0x2  }
0xb9: {  	s3 =	sand.u32 $0x4000, s31;
	s1 =	sadd.s32 s1, s30  }
0xba: {  	s0 =	sor.u32 s3, s0;
	s1 =	sshll.u32 s1, $0x11  }
0xbb: {  	s0 =	sor.u32 s1, s0  }
0xbc: {  	s0 =	sadd.s32 $0x8F2B, s0  }
0xbd: {  	[sflag:s0] =	ssyncadd.remote.s32 $0x1  }
0xbe: {  	_ =	sfence.sel $0xFFFF  }
0xbf: {  	[dreg:$0x0] =	wrdreg $0xFFFFFFFF;
	(pc) =	sbr.abs _section_cstart, $3  }
0xc0: {  	[dreg:$0x1] =	wrdreg $0xFFFFFFFF  }
0xc1: {  	_ =	task.clear_ibuf [dreg:s7], $0x2FFFF;
	_ =	strace $0x9FFFFFFF  }
0xc2: {  	(tm) =	ssettm $0x7FFFFFFF  }
0xc3: {  	_ =	shalt  }
tec
execute0_lowered:
.L_overlay_start_1:
0x0: {  	(tag) =	ssettag $0x1  }
0x1: {  	s2 =	rddreg [dreg:$0x0]  }
0x2: {  	s5 =	rddreg [dreg:$0x1];
	s3 =	simm.s32 $0x0  }
0x3: {  	s11 =	simm.s32 $0x1080;
	[smem:$0x7FF] =	sst s3  }
0x4: {  	s12 =	simm.s32 $0x100;
	_ =	strace $0x80000047;
	[dreg:$0x7] =	wrdreg s11  }
0x5: {  	s13 =	simm.s32 $0x1100;
	[dreg:$0x8] =	wrdreg s12  }
0x6: {  	s14 =	simm.s32 $0x180;
	[dreg:$0x9] =	wrdreg s13  }
0x7: {  	s15 =	simm.s32 $0x1180;
	[dreg:$0xa] =	wrdreg s14  }
0x8: {  	s16 =	simm.s32 $0x200;
	[dreg:$0xb] =	wrdreg s15  }
0x9: {  	s17 =	simm.s32 $0x1200;
	[dreg:$0xc] =	wrdreg s16  }
0xa: {  	s18 =	simm.s32 $0x280;
	[dreg:$0xd] =	wrdreg s17  }
0xb: {  	s19 =	simm.s32 $0x1280;
	[dreg:$0xe] =	wrdreg s18  }
0xc: {  	s20 =	simm.s32 $0x300;
	[dreg:$0xf] =	wrdreg s19  }
0xd: {  	s21 =	simm.s32 $0x1300;
	[dreg:$0x10] =	wrdreg s20  }
0xe: {  	s22 =	simm.s32 $0x380;
	[dreg:$0x11] =	wrdreg s21  }
0xf: {  	s23 =	simm.s32 $0x1380;
	[dreg:$0x12] =	wrdreg s22  }
0x10: {  	s24 =	simm.s32 $0x400;
	[dreg:$0x13] =	wrdreg s23  }
0x11: {  	s25 =	simm.s32 $0x1400;
	[dreg:$0x14] =	wrdreg s24  }
0x12: {  	s26 =	simm.s32 $0x480;
	[dreg:$0x15] =	wrdreg s25  }
0x13: {  	s30 =	simm.s32 $0x1480;
	[dreg:$0x16] =	wrdreg s26  }
0x14: {  	s31 =	simm.s32 $0x500;
	[dreg:$0x17] =	wrdreg s30  }
0x15: {  	s7 =	simm.s32 $0x600;
	[dreg:$0x18] =	wrdreg s31  }
0x16: {  	s8 =	simm.s32 $0x1600;
	[dreg:$0x1c] =	wrdreg s7  }
0x17: {  	[dreg:$0x1d] =	wrdreg s8;
	s11 =	simm.s32 $0x700  }
0x18: {  	s12 =	simm.s32 $0x1700;
	[smem:$0x7EC] =	sst s11  }
0x19: {  	s13 =	simm.s32 $0x780;
	[smem:$0x7ED] =	sst s12  }
0x1a: {  	s14 =	simm.s32 $0x1780;
	[smem:$0x7EE] =	sst s13  }
0x1b: {  	s15 =	simm.s32 $0x880;
	[smem:$0x7EF] =	sst s14  }
0x1c: {  	s16 =	simm.s32 $0x1880;
	[smem:$0x7F0] =	sst s15  }
0x1d: {  	s0 =	srdreg.scid;
	s17 =	simm.s32 $0x900;
	[smem:$0x7F1] =	sst s16  }
0x1e: {  	s1 =	stileid.u32;
	s18 =	simm.s32 $0x1900;
	[smem:$0x7F2] =	sst s17  }
0x1f: {  	s29 =	simm.s32 $0x1F80;
	s19 =	simm.s32 $0x980;
	[smem:$0x7F3] =	sst s18  }
0x20: {  	s28 =	simm.s32 $0x1;
	s20 =	simm.s32 $0x1980;
	[smem:$0x7F4] =	sst s19  }
0x21: {  	s0 =	sand.u32 $0x1, s0;
	s22 =	simm.s32 $0xA00;
	[smem:$0x7F5] =	sst s20  }
0x22: {  	s1 =	smul.u32 $0x5D000, s1;
	s23 =	simm.s32 $0x1A00;
	[smem:$0x7F6] =	sst s22  }
0x23: {  	s6 =	sadd.s32 $0x17DC00, s5;
	s24 =	simm.s32 $0xA80;
	[smem:$0x7F8] =	sst s23  }
0x24: {  	s4 =	smul.u32 $0x2E800, s0;
	s25 =	simm.s32 $0x1A80;
	[smem:$0x7F9] =	sst s24  }
0x25: {  	s0 =	ssub.s32 $0x2, s0;
	s26 =	simm.s32 $0xB00;
	[smem:$0x7FA] =	sst s25  }
0x26: {  	s7 =	simm.s32 $0x80;
	s30 =	simm.s32 $0x1B00;
	[smem:$0x7FB] =	sst s26  }
0x27: {  	s8 =	simm.s32 $0x1000;
	s31 =	simm.s32 $0xB80;
	[smem:$0x7FC] =	sst s30  }
0x28: {  	s21 =	sshrl.u32 s0, $0x1;
	[smem:$0x7FD] =	sst s31;
	s11 =	simm.s32 $0x1B80  }
0x29: {  	s12 =	simm.s32 $0xC00;
	s13 =	simm.s32 $0x1C00;
	s14 =	simm.s32 $0xC80  }
0x2a: {  	s15 =	simm.s32 $0x1C80;
	s16 =	simm.s32 $0xD00;
	s17 =	simm.s32 $0x1D00  }
0x2b: {  	s18 =	simm.s32 $0xD80;
	s19 =	simm.s32 $0x1D80;
	s20 =	simm.s32 $0xE00  }
0x2c: {  	s22 =	simm.s32 $0xE80;
	s1 =	sadd.s32 s4, s1;
	s0 =	ssub.s32 s0, s21  }
0x2d: {  	s23 =	simm.s32 $0x1E80;
	s4 =	sshrl.u32 s1, $0x3;
	s0 =	smax.u32 s0, $0x1  }
0x2e: {  	s5 =	sadd.s32 s4, s5;
	s4 =	sadd.s32 s4, s6;
	[smem:$0x7F7] =	sst s0  }
0x2f: {  	s1 =	sadd.s32 $0x5D0000, s1;
	[dreg:$0x3] =	wrdreg s4;
	s9 =	sadd.s32 $0x9C00, s5  }
0x30: {  	s1 =	sshrl.u32 s1, $0x3;
	s10 =	sadd.s32 $0xC3C00, s5;
	[dreg:$0x4] =	wrdreg s9  }
0x31: {  	s24 =	simm.s32 $0xF00;
	s1 =	sadd.s32 s1, s6;
	[dreg:$0x5] =	wrdreg s10  }
0x32: {  	s25 =	simm.s32 $0x1F00;
	s4 =	simm.s32 $0x1500;
	[dreg:$0x6] =	wrdreg s1  }
0x33: {  	s26 =	simm.s32 $0xF80;
	s5 =	simm.s32 $0x580;
	[dreg:$0x19] =	wrdreg s4  }
0x34: {  	s21 =	simm.s32 $0x1E00;
	s6 =	simm.s32 $0x1580;
	[dreg:$0x1a] =	wrdreg s5  }
0x35: {  	[dreg:$0x1b] =	wrdreg s6;
	s9 =	simm.s32 $0x680;
	s10 =	simm.s32 $0x1680  }
0x36: {  	s5 =	simm.s32 $0x2;
	s6 =	simm.s32 $0x800;
	[dreg:$0x1e] =	wrdreg s9  }
0x37: {  	s1 =	simm.s32 $0x0;
	[dreg:$0x1f] =	wrdreg s10;
	s9 =	simm.s32 $0x1800  }
.LBB2_1:
0x38: {  	s0 =	rddreg [dreg:$0x5]  }
0x39: {  	[smem:$0x7EB] =	sst s1;
	s0 =	sadd.s32 $0x0, s0  }
0x3a: {  	[tilespmem:s3], [sflag:$0x2] =	stream.linear.gather [hbm4b:s0+s3], $0x800, $0x38;
	[tilespmem:$0x2000] =	vst v63  }
0x3b: {  	_ =	swait.ge [sflag:s5], $0x800  }
0x3c: {  	s1 =	rddreg [dreg:$0x4];
	[sflag:s5] =	ssyncset.done $0x0  }
0x3d: {  	[sflag:s5] =	ssyncadd.s32 $0xFFFFF800;
	s0 =	sadd.s32 $0x0, s1  }
0x3e: {  	[tilespmem:s6], [sflag:$0x2] =	stream.linear.gather [hbm4b:s0+s3], $0x800, $0x38;
	[tilespmem:$0x2000] =	vst v63  }
0x3f: {  	_ =	swait.ge [sflag:s5], $0x800  }
0x40: {  	s0 =	rddreg [dreg:$0x8]  }
0x41: {  	[sflag:s5] =	ssyncset.done $0x0;
	s1 =	rddreg [dreg:$0x7]  }
0x42: {  	s4 =	rddreg [dreg:$0x9];
	[sflag:s5] =	ssyncadd.s32 $0xFFFFF800  }
0x43: {  	[tilespmem:s8], [sflag:$0x1] =	stream.indirect.gather [hbm4b:s2+s7], $0x1, s3, s7, $0xb8;
	[tilespmem:$0x2000] =	vst v63  }
0x44: {  	s10 =	rddreg [dreg:$0xb]  }
0x45: {  	[tilespmem:s1], [sflag:$0x1] =	stream.indirect.gather [hbm4b:s2+s7], $0x1, s7, s7, $0xb8;
	[tilespmem:$0x2000] =	vst v63  }
0x46: {  	s1 =	rddreg [dreg:$0xa]  }
0x47: {  	[tilespmem:s4], [sflag:$0x1] =	stream.indirect.gather [hbm4b:s2+s7], $0x1, s0, s7, $0xb8;
	[tilespmem:$0x2000] =	vst v63  }
0x48: {  	s0 =	rddreg [dreg:$0xd]  }
0x49: {  	s4 =	rddreg [dreg:$0xc]  }
0x4a: {  	[tilespmem:s10], [sflag:$0x1] =	stream.indirect.gather [hbm4b:s2+s7], $0x1, s1, s7, $0xb8;
	[tilespmem:$0x2000] =	vst v63  }
0x4b: {  	s1 =	rddreg [dreg:$0xf]  }
0x4c: {  	s10 =	rddreg [dreg:$0xe]  }
0x4d: {  	[tilespmem:s0], [sflag:$0x1] =	stream.indirect.gather [hbm4b:s2+s7], $0x1, s4, s7, $0xb8;
	[tilespmem:$0x2000] =	vst v63  }
0x4e: {  	s0 =	rddreg [dreg:$0x11]  }
0x4f: {  	s4 =	rddreg [dreg:$0x10]  }
0x50: {  	[tilespmem:s1], [sflag:$0x1] =	stream.indirect.gather [hbm4b:s2+s7], $0x1, s10, s7, $0xb8;
	[tilespmem:$0x2000] =	vst v63  }
0x51: {  	s1 =	rddreg [dreg:$0x13]  }
0x52: {  	s10 =	rddreg [dreg:$0x12]  }
0x53: {  	[tilespmem:s0], [sflag:$0x1] =	stream.indirect.gather [hbm4b:s2+s7], $0x1, s4, s7, $0xb8;
	[tilespmem:$0x2000] =	vst v63  }
0x54: {  	s0 =	rddreg [dreg:$0x15]  }
0x55: {  	s4 =	rddreg [dreg:$0x14]  }
0x56: {  	[tilespmem:s1], [sflag:$0x1] =	stream.indirect.gather [hbm4b:s2+s7], $0x1, s10, s7, $0xb8;
	[tilespmem:$0x2000] =	vst v63  }
0x57: {  	s1 =	rddreg [dreg:$0x17]  }
0x58: {  	s10 =	rddreg [dreg:$0x16]  }
0x59: {  	[tilespmem:s0], [sflag:$0x1] =	stream.indirect.gather [hbm4b:s2+s7], $0x1, s4, s7, $0xb8;
	[tilespmem:$0x2000] =	vst v63  }
0x5a: {  	s0 =	rddreg [dreg:$0x19]  }
0x5b: {  	s4 =	rddreg [dreg:$0x18]  }
0x5c: {  	[tilespmem:s1], [sflag:$0x1] =	stream.indirect.gather [hbm4b:s2+s7], $0x1, s10, s7, $0xb8;
	[tilespmem:$0x2000] =	vst v63  }
0x5d: {  	s1 =	rddreg [dreg:$0x1b]  }
0x5e: {  	s10 =	rddreg [dreg:$0x1a]  }
0x5f: {  	[tilespmem:s0], [sflag:$0x1] =	stream.indirect.gather [hbm4b:s2+s7], $0x1, s4, s7, $0xb8;
	[tilespmem:$0x2000] =	vst v63  }
0x60: {  	s0 =	rddreg [dreg:$0x1d]  }
0x61: {  	s4 =	rddreg [dreg:$0x1c]  }
0x62: {  	[tilespmem:s1], [sflag:$0x1] =	stream.indirect.gather [hbm4b:s2+s7], $0x1, s10, s7, $0xb8;
	[tilespmem:$0x2000] =	vst v63  }
0x63: {  	s1 =	rddreg [dreg:$0x1f]  }
0x64: {  	s10 =	rddreg [dreg:$0x1e]  }
0x65: {  	[tilespmem:s0], [sflag:$0x1] =	stream.indirect.gather [hbm4b:s2+s7], $0x1, s4, s7, $0xb8;
	[tilespmem:$0x2000] =	vst v63  }
0x66: {  	s0 =	sld [smem:$0x7ED]  }
0x67: {  	s4 =	sld [smem:$0x7EC]  }
0x68: {  	[tilespmem:s1], [sflag:$0x1] =	stream.indirect.gather [hbm4b:s2+s7], $0x1, s10, s7, $0xb8;
	[tilespmem:$0x2000] =	vst v63  }
0x69: {  	s1 =	sld [smem:$0x7EF]  }
0x6a: {  	s10 =	sld [smem:$0x7EE]  }
0x6b: {  	[tilespmem:s0], [sflag:$0x1] =	stream.indirect.gather [hbm4b:s2+s7], $0x1, s4, s7, $0xb8;
	[tilespmem:$0x2000] =	vst v63  }
0x6c: {  	s0 =	sld [smem:$0x7F3]  }
0x6d: {  	s4 =	sld [smem:$0x7F1]  }
0x6e: {  	[tilespmem:s1], [sflag:$0x1] =	stream.indirect.gather [hbm4b:s2+s7], $0x1, s10, s7, $0xb8;
	[tilespmem:$0x2000] =	vst v63  }
0x6f: {  	s1 =	sld [smem:$0x7F0]  }
0x70: {  	[tilespmem:s9], [sflag:$0x1] =	stream.indirect.gather [hbm4b:s2+s7], $0x1, s6, s7, $0xb8;
	[tilespmem:$0x2000] =	vst v63  }
0x71: {  	s10 =	sld [smem:$0x7F2]  }
0x72: {  	[tilespmem:s4], [sflag:$0x1] =	stream.indirect.gather [hbm4b:s2+s7], $0x1, s1, s7, $0xb8;
	[tilespmem:$0x2000] =	vst v63  }
0x73: {  	s1 =	sld [smem:$0x7F5]  }
0x74: {  	s4 =	sld [smem:$0x7F4]  }
0x75: {  	[tilespmem:s0], [sflag:$0x1] =	stream.indirect.gather [hbm4b:s2+s7], $0x1, s10, s7, $0xb8;
	[tilespmem:$0x2000] =	vst v63  }
0x76: {  	s0 =	sld [smem:$0x7F8]  }
0x77: {  	s10 =	sld [smem:$0x7F6]  }
0x78: {  	[tilespmem:s1], [sflag:$0x1] =	stream.indirect.gather [hbm4b:s2+s7], $0x1, s4, s7, $0xb8;
	[tilespmem:$0x2000] =	vst v63  }
0x79: {  	s1 =	sld [smem:$0x7FA]  }
0x7a: {  	s4 =	sld [smem:$0x7F9]  }
0x7b: {  	[tilespmem:s0], [sflag:$0x1] =	stream.indirect.gather [hbm4b:s2+s7], $0x1, s10, s7, $0xb8;
	[tilespmem:$0x2000] =	vst v63  }
0x7c: {  	s0 =	sld [smem:$0x7FC]  }
0x7d: {  	s10 =	sld [smem:$0x7FB]  }
0x7e: {  	[tilespmem:s1], [sflag:$0x1] =	stream.indirect.gather [hbm4b:s2+s7], $0x1, s4, s7, $0xb8;
	[tilespmem:$0x2000] =	vst v63  }
0x7f: {  	s4 =	sld [smem:$0x7FD]  }
0x80: {  	[tilespmem:s0], [sflag:$0x1] =	stream.indirect.gather [hbm4b:s2+s7], $0x1, s10, s7, $0xb8;
	[tilespmem:$0x2000] =	vst v63  }
0x81: {  	_ = 	snop  }
0x82: {  	[tilespmem:s11], [sflag:$0x1] =	stream.indirect.gather [hbm4b:s2+s7], $0x1, s4, s7, $0xb8;
	[tilespmem:$0x2000] =	vst v63  }
0x83: {  	_ = 	snop  }
0x84: {  	[tilespmem:s13], [sflag:$0x1] =	stream.indirect.gather [hbm4b:s2+s7], $0x1, s12, s7, $0xb8;
	[tilespmem:$0x2000] =	vst v63  }
0x85: {  	_ = 	snop  }
0x86: {  	[tilespmem:s15], [sflag:$0x1] =	stream.indirect.gather [hbm4b:s2+s7], $0x1, s14, s7, $0xb8;
	[tilespmem:$0x2000] =	vst v63  }
0x87: {  	_ = 	snop  }
0x88: {  	[tilespmem:s17], [sflag:$0x1] =	stream.indirect.gather [hbm4b:s2+s7], $0x1, s16, s7, $0xb8;
	[tilespmem:$0x2000] =	vst v63  }
0x89: {  	_ = 	snop  }
0x8a: {  	[tilespmem:s19], [sflag:$0x1] =	stream.indirect.gather [hbm4b:s2+s7], $0x1, s18, s7, $0xb8;
	[tilespmem:$0x2000] =	vst v63  }
0x8b: {  	_ = 	snop  }
0x8c: {  	[tilespmem:s21], [sflag:$0x1] =	stream.indirect.gather [hbm4b:s2+s7], $0x1, s20, s7, $0xb8;
	[tilespmem:$0x2000] =	vst v63  }
0x8d: {  	_ = 	snop  }
0x8e: {  	[tilespmem:s23], [sflag:$0x1] =	stream.indirect.gather [hbm4b:s2+s7], $0x1, s22, s7, $0xb8;
	[tilespmem:$0x2000] =	vst v63  }
0x8f: {  	_ = 	snop  }
0x90: {  	[tilespmem:s25], [sflag:$0x1] =	stream.indirect.gather [hbm4b:s2+s7], $0x1, s24, s7, $0xb8;
	[tilespmem:$0x2000] =	vst v63  }
0x91: {  	_ = 	snop  }
0x92: {  	[tilespmem:s29], [sflag:$0x1] =	stream.indirect.gather [hbm4b:s2+s7], $0x1, s26, s7, $0xb8;
	[tilespmem:$0x2000] =	vst v63  }
0x93: {  	_ =	swait.ge [sflag:s28], $0x80  }
0x94: {  	[sflag:s28] =	ssyncset.done $0x0  }
0x95: {  	[sflag:s28] =	ssyncadd.s32 $0xFFFFFF80  }
0x96: {  	_ =	swait.ge [sflag:s28], $0x80  }
0x97: {  	[sflag:s28] =	ssyncset.done $0x0  }
0x98: {  	[sflag:s28] =	ssyncadd.s32 $0xFFFFFF80  }
0x99: {  	_ =	swait.ge [sflag:s28], $0x80  }
0x9a: {  	[sflag:s28] =	ssyncset.done $0x0  }
0x9b: {  	[sflag:s28] =	ssyncadd.s32 $0xFFFFFF80  }
0x9c: {  	_ =	swait.ge [sflag:s28], $0x80  }
0x9d: {  	[sflag:s28] =	ssyncset.done $0x0  }
0x9e: {  	[sflag:s28] =	ssyncadd.s32 $0xFFFFFF80  }
0x9f: {  	_ =	swait.ge [sflag:s28], $0x80  }
0xa0: {  	[sflag:s28] =	ssyncset.done $0x0  }
0xa1: {  	[sflag:s28] =	ssyncadd.s32 $0xFFFFFF80  }
0xa2: {  	_ =	swait.ge [sflag:s28], $0x80  }
0xa3: {  	[sflag:s28] =	ssyncset.done $0x0  }
0xa4: {  	[sflag:s28] =	ssyncadd.s32 $0xFFFFFF80  }
0xa5: {  	_ =	swait.ge [sflag:s28], $0x80  }
0xa6: {  	[sflag:s28] =	ssyncset.done $0x0  }
0xa7: {  	[sflag:s28] =	ssyncadd.s32 $0xFFFFFF80  }
0xa8: {  	_ =	swait.ge [sflag:s28], $0x80  }
0xa9: {  	[sflag:s28] =	ssyncset.done $0x0  }
0xaa: {  	[sflag:s28] =	ssyncadd.s32 $0xFFFFFF80  }
0xab: {  	_ =	swait.ge [sflag:s28], $0x80  }
0xac: {  	[sflag:s28] =	ssyncset.done $0x0  }
0xad: {  	[sflag:s28] =	ssyncadd.s32 $0xFFFFFF80  }
0xae: {  	_ =	swait.ge [sflag:s28], $0x80  }
0xaf: {  	[sflag:s28] =	ssyncset.done $0x0  }
0xb0: {  	[sflag:s28] =	ssyncadd.s32 $0xFFFFFF80  }
0xb1: {  	_ =	swait.ge [sflag:s28], $0x80  }
0xb2: {  	[sflag:s28] =	ssyncset.done $0x0  }
0xb3: {  	[sflag:s28] =	ssyncadd.s32 $0xFFFFFF80  }
0xb4: {  	_ =	swait.ge [sflag:s28], $0x80  }
0xb5: {  	[sflag:s28] =	ssyncset.done $0x0  }
0xb6: {  	[sflag:s28] =	ssyncadd.s32 $0xFFFFFF80  }
0xb7: {  	_ =	swait.ge [sflag:s28], $0x80  }
0xb8: {  	[sflag:s28] =	ssyncset.done $0x0  }
0xb9: {  	[sflag:s28] =	ssyncadd.s32 $0xFFFFFF80  }
0xba: {  	_ =	swait.ge [sflag:s28], $0x80  }
0xbb: {  	[sflag:s28] =	ssyncset.done $0x0  }
0xbc: {  	[sflag:s28] =	ssyncadd.s32 $0xFFFFFF80  }
0xbd: {  	_ =	swait.ge [sflag:s28], $0x80  }
0xbe: {  	[sflag:s28] =	ssyncset.done $0x0  }
0xbf: {  	[sflag:s28] =	ssyncadd.s32 $0xFFFFFF80  }
0xc0: {  	_ =	swait.ge [sflag:s28], $0x80  }
0xc1: {  	[sflag:s28] =	ssyncset.done $0x0  }
0xc2: {  	[sflag:s28] =	ssyncadd.s32 $0xFFFFFF80  }
0xc3: {  	_ =	swait.ge [sflag:s28], $0x80  }
0xc4: {  	[sflag:s28] =	ssyncset.done $0x0  }
0xc5: {  	[sflag:s28] =	ssyncadd.s32 $0xFFFFFF80  }
0xc6: {  	_ =	swait.ge [sflag:s28], $0x80  }
0xc7: {  	[sflag:s28] =	ssyncset.done $0x0  }
0xc8: {  	[sflag:s28] =	ssyncadd.s32 $0xFFFFFF80  }
0xc9: {  	_ =	swait.ge [sflag:s28], $0x80  }
0xca: {  	[sflag:s28] =	ssyncset.done $0x0  }
0xcb: {  	[sflag:s28] =	ssyncadd.s32 $0xFFFFFF80  }
0xcc: {  	_ =	swait.ge [sflag:s28], $0x80  }
0xcd: {  	[sflag:s28] =	ssyncset.done $0x0  }
0xce: {  	[sflag:s28] =	ssyncadd.s32 $0xFFFFFF80  }
0xcf: {  	_ =	swait.ge [sflag:s28], $0x80  }
0xd0: {  	[sflag:s28] =	ssyncset.done $0x0  }
0xd1: {  	[sflag:s28] =	ssyncadd.s32 $0xFFFFFF80  }
0xd2: {  	_ =	swait.ge [sflag:s28], $0x80  }
0xd3: {  	[sflag:s28] =	ssyncset.done $0x0  }
0xd4: {  	[sflag:s28] =	ssyncadd.s32 $0xFFFFFF80  }
0xd5: {  	_ =	swait.ge [sflag:s28], $0x80  }
0xd6: {  	[sflag:s28] =	ssyncset.done $0x0  }
0xd7: {  	[sflag:s28] =	ssyncadd.s32 $0xFFFFFF80  }
0xd8: {  	_ =	swait.ge [sflag:s28], $0x80  }
0xd9: {  	[sflag:s28] =	ssyncset.done $0x0  }
0xda: {  	[sflag:s28] =	ssyncadd.s32 $0xFFFFFF80  }
0xdb: {  	_ =	swait.ge [sflag:s28], $0x80  }
0xdc: {  	[sflag:s28] =	ssyncset.done $0x0  }
0xdd: {  	[sflag:s28] =	ssyncadd.s32 $0xFFFFFF80  }
0xde: {  	_ =	swait.ge [sflag:s28], $0x80  }
0xdf: {  	[sflag:s28] =	ssyncset.done $0x0  }
0xe0: {  	[sflag:s28] =	ssyncadd.s32 $0xFFFFFF80  }
0xe1: {  	_ =	swait.ge [sflag:s28], $0x80  }
0xe2: {  	[sflag:s28] =	ssyncset.done $0x0  }
0xe3: {  	[sflag:s28] =	ssyncadd.s32 $0xFFFFFF80  }
0xe4: {  	_ =	swait.ge [sflag:s28], $0x80  }
0xe5: {  	[sflag:s28] =	ssyncset.done $0x0  }
0xe6: {  	[sflag:s28] =	ssyncadd.s32 $0xFFFFFF80  }
0xe7: {  	_ =	swait.ge [sflag:s28], $0x80  }
0xe8: {  	[sflag:s28] =	ssyncset.done $0x0  }
0xe9: {  	s31 =	simm.s32 $0x100;
	s30 =	simm.s32 $0x0;
	[sflag:s28] =	ssyncadd.s32 $0xFFFFFF80  }
.LBB2_2:
0xea: {  	_ =	swait.ge [sflag:s28], $0x80  }
0xeb: {  	[sflag:s28] =	ssyncset.done $0x0  }
0xec: {  	[sflag:s28] =	ssyncadd.s32 $0xFFFFFF80  }
0xed: {  	_ =	swait.ge [sflag:s28], $0x80  }
0xee: {  	[sflag:s28] =	ssyncset.done $0x0  }
0xef: {  	[sflag:s28] =	ssyncadd.s32 $0xFFFFFF80  }
0xf0: {  	_ =	swait.ge [sflag:s28], $0x80  }
0xf1: {  	s1 =	rddreg [dreg:$0x3];
	[sflag:s28] =	ssyncset.done $0x0  }
0xf2: {  	[sflag:s28] =	ssyncadd.s32 $0xFFFFFF80;
	s1 =	sadd.s32 s30, s1  }
0xf3: {  	[hbm4b:s1+s3] =	stream.linear.scatter [tilespmem:s8], [sflag:$0x2], $0x800, $0x38;
	[tilespmem:$0x2000] =	vst v63  }
0xf4: {  	_ =	swait.ge [sflag:s5], $0x800  }
0xf5: {  	s26 =	rddreg [dreg:$0x6];
	[sflag:s5] =	ssyncset.done $0x0  }
0xf6: {  	[sflag:s5] =	ssyncadd.s32 $0xFFFFF800;
	s1 =	sadd.s32 s30, s26  }
0xf7: {  	[hbm4b:s1+s3] =	stream.linear.scatter [tilespmem:s9], [sflag:$0x2], $0x800, $0x38;
	[tilespmem:$0x2000] =	vst v63  }
0xf8: {  	s0 =	smov.u32 s31;
	_ =	swait.ge [sflag:s5], $0x800  }
0xf9: {  	s30 =	smov.u32 s0;
	s1 =	rddreg [dreg:$0x5];
	[sflag:s5] =	ssyncset.done $0x0  }
0xfa: {  	[sflag:s5] =	ssyncadd.s32 $0xFFFFF800;
	s0 =	sadd.s32 s30, s1  }
0xfb: {  	[tilespmem:s3], [sflag:$0x2] =	stream.linear.gather [hbm4b:s0+s3], $0x800, $0x38;
	[tilespmem:$0x2000] =	vst v63  }
0xfc: {  	_ =	swait.ge [sflag:s5], $0x800  }
0xfd: {  	[sflag:s5] =	ssyncset.done $0x0;
	s4 =	rddreg [dreg:$0x4]  }
0xfe: {  	[sflag:s5] =	ssyncadd.s32 $0xFFFFF800;
	s0 =	sadd.s32 s30, s4  }
0xff: {  	[tilespmem:s6], [sflag:$0x2] =	stream.linear.gather [hbm4b:s0+s3], $0x800, $0x38;
	[tilespmem:$0x2000] =	vst v63  }
0x100: {  	_ =	swait.ge [sflag:s5], $0x800  }
0x101: {  	s1 =	sld [smem:$0x7FA]  }
0x102: {  	s0 =	sld [smem:$0x7F8]  }
0x103: {  	s4 =	sld [smem:$0x7F5]  }
0x104: {  	s29 =	sld [smem:$0x7F3]  }
0x105: {  	s10 =	sld [smem:$0x7F1]  }
0x106: {  	s11 =	sld [smem:$0x7EF]  }
0x107: {  	s12 =	sld [smem:$0x7ED]  }
0x108: {  	s13 =	rddreg [dreg:$0x1f]  }
0x109: {  	s14 =	rddreg [dreg:$0x1d]  }
0x10a: {  	s15 =	rddreg [dreg:$0x1b]  }
0x10b: {  	s16 =	rddreg [dreg:$0x19]  }
0x10c: {  	s17 =	rddreg [dreg:$0x17]  }
0x10d: {  	s18 =	rddreg [dreg:$0x15]  }
0x10e: {  	s19 =	rddreg [dreg:$0x13]  }
0x10f: {  	s20 =	rddreg [dreg:$0x11]  }
0x110: {  	s21 =	rddreg [dreg:$0xf]  }
0x111: {  	s22 =	rddreg [dreg:$0xd]  }
0x112: {  	s23 =	rddreg [dreg:$0x8]  }
0x113: {  	[sflag:s5] =	ssyncset.done $0x0;
	s24 =	rddreg [dreg:$0x7]  }
0x114: {  	s25 =	rddreg [dreg:$0x9];
	[sflag:s5] =	ssyncadd.s32 $0xFFFFF800  }
0x115: {  	[tilespmem:s8], [sflag:$0x1] =	stream.indirect.gather [hbm4b:s2+s7], $0x1, s3, s7, $0xb8;
	[tilespmem:$0x2000] =	vst v63  }
0x116: {  	s26 =	rddreg [dreg:$0xb]  }
0x117: {  	[tilespmem:s24], [sflag:$0x1] =	stream.indirect.gather [hbm4b:s2+s7], $0x1, s7, s7, $0xb8;
	[tilespmem:$0x2000] =	vst v63  }
0x118: {  	s24 =	rddreg [dreg:$0xa]  }
0x119: {  	[tilespmem:s25], [sflag:$0x1] =	stream.indirect.gather [hbm4b:s2+s7], $0x1, s23, s7, $0xb8;
	[tilespmem:$0x2000] =	vst v63  }
0x11a: {  	s23 =	rddreg [dreg:$0xc]  }
0x11b: {  	[tilespmem:s26], [sflag:$0x1] =	stream.indirect.gather [hbm4b:s2+s7], $0x1, s24, s7, $0xb8;
	[tilespmem:$0x2000] =	vst v63  }
0x11c: {  	s24 =	rddreg [dreg:$0xe]  }
0x11d: {  	[tilespmem:s22], [sflag:$0x1] =	stream.indirect.gather [hbm4b:s2+s7], $0x1, s23, s7, $0xb8;
	[tilespmem:$0x2000] =	vst v63  }
0x11e: {  	s22 =	rddreg [dreg:$0x10]  }
0x11f: {  	[tilespmem:s21], [sflag:$0x1] =	stream.indirect.gather [hbm4b:s2+s7], $0x1, s24, s7, $0xb8;
	[tilespmem:$0x2000] =	vst v63  }
0x120: {  	s21 =	rddreg [dreg:$0x12]  }
0x121: {  	[tilespmem:s20], [sflag:$0x1] =	stream.indirect.gather [hbm4b:s2+s7], $0x1, s22, s7, $0xb8;
	[tilespmem:$0x2000] =	vst v63  }
0x122: {  	s20 =	rddreg [dreg:$0x14]  }
0x123: {  	[tilespmem:s19], [sflag:$0x1] =	stream.indirect.gather [hbm4b:s2+s7], $0x1, s21, s7, $0xb8;
	[tilespmem:$0x2000] =	vst v63  }
0x124: {  	s19 =	rddreg [dreg:$0x16]  }
0x125: {  	[tilespmem:s18], [sflag:$0x1] =	stream.indirect.gather [hbm4b:s2+s7], $0x1, s20, s7, $0xb8;
	[tilespmem:$0x2000] =	vst v63  }
0x126: {  	s18 =	rddreg [dreg:$0x18]  }
0x127: {  	[tilespmem:s17], [sflag:$0x1] =	stream.indirect.gather [hbm4b:s2+s7], $0x1, s19, s7, $0xb8;
	[tilespmem:$0x2000] =	vst v63  }
0x128: {  	s17 =	rddreg [dreg:$0x1a]  }
0x129: {  	[tilespmem:s16], [sflag:$0x1] =	stream.indirect.gather [hbm4b:s2+s7], $0x1, s18, s7, $0xb8;
	[tilespmem:$0x2000] =	vst v63  }
0x12a: {  	s16 =	rddreg [dreg:$0x1c]  }
0x12b: {  	[tilespmem:s15], [sflag:$0x1] =	stream.indirect.gather [hbm4b:s2+s7], $0x1, s17, s7, $0xb8;
	[tilespmem:$0x2000] =	vst v63  }
0x12c: {  	s15 =	rddreg [dreg:$0x1e]  }
0x12d: {  	[tilespmem:s14], [sflag:$0x1] =	stream.indirect.gather [hbm4b:s2+s7], $0x1, s16, s7, $0xb8;
	[tilespmem:$0x2000] =	vst v63  }
0x12e: {  	s14 =	sld [smem:$0x7EC]  }
0x12f: {  	[tilespmem:s13], [sflag:$0x1] =	stream.indirect.gather [hbm4b:s2+s7], $0x1, s15, s7, $0xb8;
	[tilespmem:$0x2000] =	vst v63  }
0x130: {  	s13 =	sld [smem:$0x7EE]  }
0x131: {  	[tilespmem:s12], [sflag:$0x1] =	stream.indirect.gather [hbm4b:s2+s7], $0x1, s14, s7, $0xb8;
	[tilespmem:$0x2000] =	vst v63  }
0x132: {  	s12 =	sld [smem:$0x7FC]  }
0x133: {  	[tilespmem:s11], [sflag:$0x1] =	stream.indirect.gather [hbm4b:s2+s7], $0x1, s13, s7, $0xb8;
	[tilespmem:$0x2000] =	vst v63  }
0x134: {  	s11 =	sld [smem:$0x7F0]  }
0x135: {  	[tilespmem:s9], [sflag:$0x1] =	stream.indirect.gather [hbm4b:s2+s7], $0x1, s6, s7, $0xb8;
	[tilespmem:$0x2000] =	vst v63  }
0x136: {  	s13 =	sld [smem:$0x7F2]  }
0x137: {  	[tilespmem:s10], [sflag:$0x1] =	stream.indirect.gather [hbm4b:s2+s7], $0x1, s11, s7, $0xb8;
	[tilespmem:$0x2000] =	vst v63  }
0x138: {  	s10 =	sld [smem:$0x7F4]  }
0x139: {  	[tilespmem:s29], [sflag:$0x1] =	stream.indirect.gather [hbm4b:s2+s7], $0x1, s13, s7, $0xb8;
	[tilespmem:$0x2000] =	vst v63  }
0x13a: {  	s11 =	sld [smem:$0x7F6]  }
0x13b: {  	[tilespmem:s4], [sflag:$0x1] =	stream.indirect.gather [hbm4b:s2+s7], $0x1, s10, s7, $0xb8;
	[tilespmem:$0x2000] =	vst v63  }
0x13c: {  	s10 =	sld [smem:$0x7F9]  }
0x13d: {  	[tilespmem:s0], [sflag:$0x1] =	stream.indirect.gather [hbm4b:s2+s7], $0x1, s11, s7, $0xb8;
	[tilespmem:$0x2000] =	vst v63  }
0x13e: {  	s0 =	sld [smem:$0x7FB]  }
0x13f: {  	[tilespmem:s1], [sflag:$0x1] =	stream.indirect.gather [hbm4b:s2+s7], $0x1, s10, s7, $0xb8;
	[tilespmem:$0x2000] =	vst v63  }
0x140: {  	s10 =	sld [smem:$0x7FD]  }
0x141: {  	[tilespmem:s12], [sflag:$0x1] =	stream.indirect.gather [hbm4b:s2+s7], $0x1, s0, s7, $0xb8;
	[tilespmem:$0x2000] =	vst v63  }
0x142: {  	s11 =	simm.s32 $0x1B80  }
0x143: {  	[tilespmem:s11], [sflag:$0x1] =	stream.indirect.gather [hbm4b:s2+s7], $0x1, s10, s7, $0xb8;
	[tilespmem:$0x2000] =	vst v63  }
0x144: {  	s13 =	simm.s32 $0x1C00;
	s12 =	simm.s32 $0xC00  }
0x145: {  	[tilespmem:s13], [sflag:$0x1] =	stream.indirect.gather [hbm4b:s2+s7], $0x1, s12, s7, $0xb8;
	[tilespmem:$0x2000] =	vst v63  }
0x146: {  	s15 =	simm.s32 $0x1C80;
	s14 =	simm.s32 $0xC80  }
0x147: {  	[tilespmem:s15], [sflag:$0x1] =	stream.indirect.gather [hbm4b:s2+s7], $0x1, s14, s7, $0xb8;
	[tilespmem:$0x2000] =	vst v63  }
0x148: {  	s17 =	simm.s32 $0x1D00;
	s16 =	simm.s32 $0xD00  }
0x149: {  	[tilespmem:s17], [sflag:$0x1] =	stream.indirect.gather [hbm4b:s2+s7], $0x1, s16, s7, $0xb8;
	[tilespmem:$0x2000] =	vst v63  }
0x14a: {  	s19 =	simm.s32 $0x1D80;
	s18 =	simm.s32 $0xD80  }
0x14b: {  	[tilespmem:s19], [sflag:$0x1] =	stream.indirect.gather [hbm4b:s2+s7], $0x1, s18, s7, $0xb8;
	[tilespmem:$0x2000] =	vst v63  }
0x14c: {  	s21 =	simm.s32 $0x1E00;
	s20 =	simm.s32 $0xE00  }
0x14d: {  	[tilespmem:s21], [sflag:$0x1] =	stream.indirect.gather [hbm4b:s2+s7], $0x1, s20, s7, $0xb8;
	[tilespmem:$0x2000] =	vst v63  }
0x14e: {  	s23 =	simm.s32 $0x1E80;
	s22 =	simm.s32 $0xE80  }
0x14f: {  	[tilespmem:s23], [sflag:$0x1] =	stream.indirect.gather [hbm4b:s2+s7], $0x1, s22, s7, $0xb8;
	[tilespmem:$0x2000] =	vst v63  }
0x150: {  	s25 =	simm.s32 $0x1F00;
	s24 =	simm.s32 $0xF00  }
0x151: {  	[tilespmem:s25], [sflag:$0x1] =	stream.indirect.gather [hbm4b:s2+s7], $0x1, s24, s7, $0xb8;
	[tilespmem:$0x2000] =	vst v63  }
0x152: {  	s26 =	simm.s32 $0xF80;
	s29 =	simm.s32 $0x1F80  }
0x153: {  	[tilespmem:s29], [sflag:$0x1] =	stream.indirect.gather [hbm4b:s2+s7], $0x1, s26, s7, $0xb8;
	[tilespmem:$0x2000] =	vst v63  }
0x154: {  	_ =	swait.ge [sflag:s28], $0x80  }
0x155: {  	[sflag:s28] =	ssyncset.done $0x0  }
0x156: {  	[sflag:s28] =	ssyncadd.s32 $0xFFFFFF80  }
0x157: {  	_ =	swait.ge [sflag:s28], $0x80  }
0x158: {  	[sflag:s28] =	ssyncset.done $0x0  }
0x159: {  	[sflag:s28] =	ssyncadd.s32 $0xFFFFFF80  }
0x15a: {  	_ =	swait.ge [sflag:s28], $0x80  }
0x15b: {  	[sflag:s28] =	ssyncset.done $0x0  }
0x15c: {  	[sflag:s28] =	ssyncadd.s32 $0xFFFFFF80  }
0x15d: {  	_ =	swait.ge [sflag:s28], $0x80  }
0x15e: {  	[sflag:s28] =	ssyncset.done $0x0  }
0x15f: {  	[sflag:s28] =	ssyncadd.s32 $0xFFFFFF80  }
0x160: {  	_ =	swait.ge [sflag:s28], $0x80  }
0x161: {  	[sflag:s28] =	ssyncset.done $0x0  }
0x162: {  	[sflag:s28] =	ssyncadd.s32 $0xFFFFFF80  }
0x163: {  	_ =	swait.ge [sflag:s28], $0x80  }
0x164: {  	[sflag:s28] =	ssyncset.done $0x0  }
0x165: {  	[sflag:s28] =	ssyncadd.s32 $0xFFFFFF80  }
0x166: {  	_ =	swait.ge [sflag:s28], $0x80  }
0x167: {  	[sflag:s28] =	ssyncset.done $0x0  }
0x168: {  	[sflag:s28] =	ssyncadd.s32 $0xFFFFFF80  }
0x169: {  	_ =	swait.ge [sflag:s28], $0x80  }
0x16a: {  	[sflag:s28] =	ssyncset.done $0x0  }
0x16b: {  	[sflag:s28] =	ssyncadd.s32 $0xFFFFFF80  }
0x16c: {  	_ =	swait.ge [sflag:s28], $0x80  }
0x16d: {  	[sflag:s28] =	ssyncset.done $0x0  }
0x16e: {  	[sflag:s28] =	ssyncadd.s32 $0xFFFFFF80  }
0x16f: {  	_ =	swait.ge [sflag:s28], $0x80  }
0x170: {  	[sflag:s28] =	ssyncset.done $0x0  }
0x171: {  	[sflag:s28] =	ssyncadd.s32 $0xFFFFFF80  }
0x172: {  	_ =	swait.ge [sflag:s28], $0x80  }
0x173: {  	[sflag:s28] =	ssyncset.done $0x0  }
0x174: {  	[sflag:s28] =	ssyncadd.s32 $0xFFFFFF80  }
0x175: {  	_ =	swait.ge [sflag:s28], $0x80  }
0x176: {  	[sflag:s28] =	ssyncset.done $0x0  }
0x177: {  	[sflag:s28] =	ssyncadd.s32 $0xFFFFFF80  }
0x178: {  	_ =	swait.ge [sflag:s28], $0x80  }
0x179: {  	[sflag:s28] =	ssyncset.done $0x0  }
0x17a: {  	[sflag:s28] =	ssyncadd.s32 $0xFFFFFF80  }
0x17b: {  	_ =	swait.ge [sflag:s28], $0x80  }
0x17c: {  	[sflag:s28] =	ssyncset.done $0x0  }
0x17d: {  	[sflag:s28] =	ssyncadd.s32 $0xFFFFFF80  }
0x17e: {  	_ =	swait.ge [sflag:s28], $0x80  }
0x17f: {  	[sflag:s28] =	ssyncset.done $0x0  }
0x180: {  	[sflag:s28] =	ssyncadd.s32 $0xFFFFFF80  }
0x181: {  	_ =	swait.ge [sflag:s28], $0x80  }
0x182: {  	[sflag:s28] =	ssyncset.done $0x0  }
0x183: {  	[sflag:s28] =	ssyncadd.s32 $0xFFFFFF80  }
0x184: {  	_ =	swait.ge [sflag:s28], $0x80  }
0x185: {  	[sflag:s28] =	ssyncset.done $0x0  }
0x186: {  	[sflag:s28] =	ssyncadd.s32 $0xFFFFFF80  }
0x187: {  	_ =	swait.ge [sflag:s28], $0x80  }
0x188: {  	[sflag:s28] =	ssyncset.done $0x0  }
0x189: {  	[sflag:s28] =	ssyncadd.s32 $0xFFFFFF80  }
0x18a: {  	_ =	swait.ge [sflag:s28], $0x80  }
0x18b: {  	[sflag:s28] =	ssyncset.done $0x0  }
0x18c: {  	[sflag:s28] =	ssyncadd.s32 $0xFFFFFF80  }
0x18d: {  	_ =	swait.ge [sflag:s28], $0x80  }
0x18e: {  	[sflag:s28] =	ssyncset.done $0x0  }
0x18f: {  	[sflag:s28] =	ssyncadd.s32 $0xFFFFFF80  }
0x190: {  	_ =	swait.ge [sflag:s28], $0x80  }
0x191: {  	[sflag:s28] =	ssyncset.done $0x0  }
0x192: {  	[sflag:s28] =	ssyncadd.s32 $0xFFFFFF80  }
0x193: {  	_ =	swait.ge [sflag:s28], $0x80  }
0x194: {  	[sflag:s28] =	ssyncset.done $0x0  }
0x195: {  	[sflag:s28] =	ssyncadd.s32 $0xFFFFFF80  }
0x196: {  	_ =	swait.ge [sflag:s28], $0x80  }
0x197: {  	[sflag:s28] =	ssyncset.done $0x0  }
0x198: {  	[sflag:s28] =	ssyncadd.s32 $0xFFFFFF80  }
0x199: {  	_ =	swait.ge [sflag:s28], $0x80  }
0x19a: {  	[sflag:s28] =	ssyncset.done $0x0  }
0x19b: {  	[sflag:s28] =	ssyncadd.s32 $0xFFFFFF80  }
0x19c: {  	_ =	swait.ge [sflag:s28], $0x80  }
0x19d: {  	[sflag:s28] =	ssyncset.done $0x0  }
0x19e: {  	[sflag:s28] =	ssyncadd.s32 $0xFFFFFF80  }
0x19f: {  	_ =	swait.ge [sflag:s28], $0x80  }
0x1a0: {  	[sflag:s28] =	ssyncset.done $0x0  }
0x1a1: {  	[sflag:s28] =	ssyncadd.s32 $0xFFFFFF80  }
0x1a2: {  	_ =	swait.ge [sflag:s28], $0x80  }
0x1a3: {  	[sflag:s28] =	ssyncset.done $0x0  }
0x1a4: {  	[sflag:s28] =	ssyncadd.s32 $0xFFFFFF80  }
0x1a5: {  	p0 =	sne.s32 s31, $0x5C00;
	_ =	swait.ge [sflag:s28], $0x80  }
.Ltmp0:
0x1a6: {  	[sflag:s28] =	ssyncset.done $0x0;
	(pc) =	sbr.rel @p0 .LBB2_2-.Ltmp0, $4  }
0x1a7: {  	[sflag:s28] =	ssyncadd.s32 $0xFFFFFF80  }
0x1a8: {  	_ =	swait.ge [sflag:s28], $0x80  }
0x1a9: {  	[sflag:s28] =	ssyncset.done $0x0  }
0x1aa: {  	s31 =	sadd.s32 $0x100, s31;
	[sflag:s28] =	ssyncadd.s32 $0xFFFFFF80  }
0x1ab: {  	_ =	swait.ge [sflag:s28], $0x80  }
0x1ac: {  	[sflag:s28] =	ssyncset.done $0x0  }
0x1ad: {  	[sflag:s28] =	ssyncadd.s32 $0xFFFFFF80  }
0x1ae: {  	_ =	swait.ge [sflag:s28], $0x80  }
0x1af: {  	[sflag:s28] =	ssyncset.done $0x0  }
0x1b0: {  	[sflag:s28] =	ssyncadd.s32 $0xFFFFFF80  }
0x1b1: {  	_ =	swait.ge [sflag:s28], $0x80  }
0x1b2: {  	s0 =	rddreg [dreg:$0x3];
	[sflag:s28] =	ssyncset.done $0x0  }
0x1b3: {  	[sflag:s28] =	ssyncadd.s32 $0xFFFFFF80;
	s0 =	sadd.s32 s30, s0  }
0x1b4: {  	[hbm4b:s0+s3] =	stream.linear.scatter [tilespmem:s8], [sflag:$0x2], $0x800, $0x38;
	[tilespmem:$0x2000] =	vst v63  }
0x1b5: {  	_ =	swait.ge [sflag:s5], $0x800  }
0x1b6: {  	s10 =	rddreg [dreg:$0x6];
	[sflag:s5] =	ssyncset.done $0x0  }
0x1b7: {  	[sflag:s5] =	ssyncadd.s32 $0xFFFFF800;
	s0 =	sadd.s32 s30, s10  }
0x1b8: {  	[hbm4b:s0+s3] =	stream.linear.scatter [tilespmem:s9], [sflag:$0x2], $0x800, $0x38;
	[tilespmem:$0x2000] =	vst v63  }
0x1b9: {  	_ =	swait.ge [sflag:s5], $0x800  }
0x1ba: {  	s1 =	sld [smem:$0x7EB]  }
0x1bb: {  	s31 =	sld [smem:$0x7F7];
	_ =	sdelay $0x1  }
0x1bc: {  	s1 =	sadd.s32 $0x1, s1  }
0x1bd: {  	p0 =	sne.s32 s1, s31  }
.Ltmp1:
0x1be: {  	_ = 	snop;
	(pc) =	sbr.rel @p0 .LBB2_1-.Ltmp1, $3  }
0x1bf: {  	_ =	sdelay $0x1  }
0x1c0: {  	[sflag:s5] =	ssyncset.done $0x0  }
0x1c1: {  	[sflag:s5] =	ssyncadd.s32 $0xFFFFF800  }
0x1c2: {  	_ =	sfence.sel $0x180000  }
0x1c3: {  	[bflag:$0x0] =	sbarrier.arrive $0xFFFF  }
0x1c4: {  	_ =	strace $0x90000047  }
0x1c5: {  	s0 =	stileid.u32;
	[bflag:$0x2] =	sbarrier.arrive $0xFFFF  }
0x1c6: {  	p0 =	sne.s32 s0, $0x0;
	s0 =	rddreg [dreg:$0x2]  }
0x1c7: {  	s0 =	sadd.s32 @!p0 $0x100000, s0  }
0x1c8: {  	[sflag:s0] =	ssyncadd.tile.s32 @!p0 $0x1;
	_ =	shalt  }
.Lfunc_end2:
_tile_overlayer_lowered:
.L_overlay_start_2:
0x1c9: {  	(tag) =	ssettag $0x2  }
0x1ca: {  	s0 =	rddreg [dreg:$0x0];
	s2 =	stileid.u32  }
0x1cb: {  	s1 =	rddreg [dreg:$0x1];
	p0 =	sne.s32 s2, $0x0  }
0x1cc: {  	s3 =	rddreg [dreg:$0x2];
	[bflag:$0x3] =	sbarrier.arrive $0xFFFF;
	s2 =	simm.s32 @!p0 $0x1C02  }
0x1cd: {  	[timem:s3], [sflag:s2] =	dma.local @!p0 [hbm:s0], s1  }
0x1ce: {  	s0 =	simm.s32 @!p0 $0x2  }
0x1cf: {  	_ =	swait.ge @!p0 [sflag:s0], s1  }
0x1d0: {  	s1 =	ssub.s32 @!p0 $0x0, s1;
	[sflag:s0] =	ssyncset.done @!p0 $0x0  }
0x1d1: {  	[sflag:s0] =	ssyncadd.s32 @!p0 s1  }
0x1d2: {  	[bflag:$0x3] =	sbarrier.arrive $0xFFFF  }
0x1d3: {  	_ =	shalt  }

</sc_bundles>
